<compile_context>
chip_gen: v7x
topology: tpu7x:2x2x1
jax: 0.10.2.dev20260603
libtpu: 0.0.44.dev20260713+nightly
codegen_flags: <defaults>
</compile_context>

<pallas_src>
import functools
import math

import numpy as np
import jax
import jax.numpy as jnp
from jax import lax
from jax.experimental import pallas as pl
from jax.experimental.pallas import tpu as pltpu
from jax.experimental.pallas import tpu_sc as plsc

VOCAB = 100000
D_MODEL = 2048
HEAD_DIM = 128
ROPE_THETA = 10000.0
B, S = 4, 4096
NTOK = B * S

NC, NS = 2, 16
NW = NC * NS
PER_W = NTOK // NW
RCH = 16
NCH = PER_W // RCH

MIN_F32 = float(np.finfo(np.float32).min)

BS = 512
CS = 512
NSUB = S // CS


def _sc_gather(idx_flat, table):
    mesh = plsc.VectorSubcoreMesh(core_axis_name="c", subcore_axis_name="s")

    @functools.partial(
        pl.kernel,
        mesh=mesh,
        out_type=jax.ShapeDtypeStruct((NTOK, D_MODEL), jnp.float32),
        scratch_types=[
            pltpu.VMEM((PER_W,), jnp.int32),
            pltpu.VMEM((RCH, D_MODEL), jnp.float32),
            pltpu.VMEM((RCH, D_MODEL), jnp.float32),
            pltpu.SemaphoreType.DMA,
            pltpu.SemaphoreType.DMA,
        ],
    )
    def k(idx_hbm, table_hbm, out_hbm, idx_v, buf0, buf1, gs0, gs1):
        wid = lax.axis_index("s") * NC + lax.axis_index("c")
        base = wid * PER_W
        pltpu.sync_copy(idx_hbm.at[pl.ds(base, PER_W)], idx_v)

        def start_g(c, buf, sem):
            pltpu.async_copy(table_hbm.at[idx_v.at[pl.ds(c * RCH, RCH)]], buf, sem)

        def wait_g(buf, sem):
            pltpu.make_async_copy(
                table_hbm.at[idx_v.at[pl.ds(0, RCH)]], buf, sem).wait()

        def put(c, buf):
            pltpu.sync_copy(buf, out_hbm.at[pl.ds(base + c * RCH, RCH)])

        start_g(0, buf0, gs0)

        def body(t, carry):
            c = 2 * t
            start_g(c + 1, buf1, gs1)
            wait_g(buf0, gs0)
            put(c, buf0)
            start_g(c + 2, buf0, gs0)
            wait_g(buf1, gs1)
            put(c + 1, buf1)
            return carry

        lax.fori_loop(0, NCH // 2 - 1, body, 0)
        c = NCH - 2
        start_g(c + 1, buf1, gs1)
        wait_g(buf0, gs0)
        put(c, buf0)
        wait_g(buf1, gs1)
        put(c + 1, buf1)

    return k(idx_flat, table)


def _mask_rope_body(am_ref, pos_ref, mask_ref, cos_ref, sin_ref):
    i = pl.program_id(0)
    r0 = i * BS
    pad = am_ref[0, 0, :]
    tri = (lax.broadcasted_iota(jnp.int32, (BS, CS), 1)
           > lax.broadcasted_iota(jnp.int32, (BS, CS), 0))
    tri_sel = jnp.where(tri, MIN_F32, 0.0)
    min_tile = jnp.full((BS, CS), MIN_F32, jnp.float32)
    for js in range(NSUB):
        c0 = js * CS
        p_tile = jnp.where(pad[None, c0:c0 + CS] == 0, MIN_F32, 0.0)

        @pl.when((c0 + CS - 1) <= r0)
        def _():
            mask_ref[0, 0, :, c0:c0 + CS] = jnp.broadcast_to(p_tile, (BS, CS))

        @pl.when(c0 > (r0 + BS - 1))
        def _():
            mask_ref[0, 0, :, c0:c0 + CS] = min_tile

        @pl.when(jnp.logical_and((c0 + CS - 1) > r0, c0 <= (r0 + BS - 1)))
        def _():
            mask_ref[0, 0, :, c0:c0 + CS] = jnp.minimum(
                tri_sel, jnp.broadcast_to(p_tile, (BS, CS)))

    @pl.when(pl.program_id(1) == 0)
    def _():
        kk = lax.broadcasted_iota(jnp.int32, (BS, HEAD_DIM), 1).astype(jnp.float32)
        khalf = jnp.where(kk < HEAD_DIM // 2, kk, kk - HEAD_DIM // 2)
        inv_freq = jnp.exp(khalf * (-2.0 * math.log(ROPE_THETA) / HEAD_DIM))
        pos = pos_ref[0, :].astype(jnp.float32)
        emb = pos[:, None] * inv_freq
        cos_ref[0] = jnp.cos(emb)
        sin_ref[0] = jnp.sin(emb)


def _tc_mask_rope(attention_mask, position_ids, interpret=False):
    return pl.pallas_call(
        _mask_rope_body,
        grid=(S // BS, B),
        in_specs=[
            pl.BlockSpec((1, 1, S), lambda i, b: (b, 0, 0)),
            pl.BlockSpec((1, BS), lambda i, b: (0, i)),
        ],
        out_specs=[
            pl.BlockSpec((1, 1, BS, S), lambda i, b: (b, 0, i, 0)),
            pl.BlockSpec((1, BS, HEAD_DIM), lambda i, b: (0, i, 0)),
            pl.BlockSpec((1, BS, HEAD_DIM), lambda i, b: (0, i, 0)),
        ],
        out_shape=[
            jax.ShapeDtypeStruct((B, 1, S, S), jnp.float32),
            jax.ShapeDtypeStruct((1, S, HEAD_DIM), jnp.float32),
            jax.ShapeDtypeStruct((1, S, HEAD_DIM), jnp.float32),
        ],
        interpret=interpret,
    )(attention_mask.reshape(B, 1, S), position_ids)


def kernel(input_ids, attention_mask, position_ids, control_classes, labels, W):
    idx_flat = input_ids.reshape(NTOK)
    rows = _sc_gather(idx_flat, W)
    hidden_states = rows.reshape(B, S, D_MODEL)
    mask4d, cos, sin = _tc_mask_rope(attention_mask, position_ids)
    cache_position = jnp.arange(S, dtype=jnp.int32)
    return (hidden_states, mask4d, cos, sin, cache_position, control_classes, labels)

# --- scband reference (transcript-rebuilt; emitter-appended) ---
"""Pipeline reference for scband-embedding-pipe-26508538151127 (READ-ONLY COPY).

The authoritative reference and input builder live on the scoring server;
editing this copy changes nothing except your own understanding.
"""

import jax, jax.numpy as jnp
import numpy as np

VOCAB = 100000
D_MODEL = 2048
N_HEADS = 16
HEAD_DIM = D_MODEL // N_HEADS
ROPE_THETA = 10000.0
B, S = 4, 4096


def setup_inputs(seed: int = 0):
    key = jax.random.key(seed)
    k1, k2, k3 = jax.random.split(key, 3)
    input_ids = jax.random.randint(k1, (B, S), 0, VOCAB, dtype=jnp.int32)
    attention_mask = jnp.ones((B, S), dtype=jnp.int32)
    position_ids = jnp.arange(S, dtype=jnp.int32)[None, :]
    control_classes = jnp.zeros((B,), dtype=jnp.int32)
    labels = jax.random.randint(k2, (B, S), 0, VOCAB, dtype=jnp.int32)
    W = jax.random.normal(k3, (VOCAB, D_MODEL), dtype=jnp.float32) * 0.02
    return {"input_ids": input_ids, "attention_mask": attention_mask,
            "position_ids": position_ids, "control_classes": control_classes,
            "labels": labels, "W": W}


def reference(input_ids, attention_mask, position_ids, control_classes, labels, W):
    # --- embedding lookup (self.orig(input_ids)) ---
    inputs_embeds = jnp.take(W, input_ids, axis=0)  # [B, S, D]
    # --- cache_position (no past KV) ---
    cache_position = jnp.arange(S, dtype=jnp.int32)
    # --- _update_causal_mask: 4D additive mask [B, 1, S, S] ---
    min_val = jnp.finfo(inputs_embeds.dtype).min
    causal = jnp.triu(jnp.full((S, S), min_val, dtype=inputs_embeds.dtype), k=1)
    causal = causal[None, None, :, :]
    pad = attention_mask[:, None, None, :]  # [B, 1, 1, S]
    mask4d = jnp.where(pad == 0, min_val, causal)
    # --- hidden states (normalize_embedding_sqrt=False) ---
    hidden_states = inputs_embeds
    # --- rotary embeddings (cos, sin) over head_dim ---
    inv_freq = 1.0 / (ROPE_THETA ** (jnp.arange(0, HEAD_DIM, 2, dtype=jnp.float32) / HEAD_DIM))
    freqs = position_ids.astype(jnp.float32)[:, :, None] * inv_freq[None, None, :]  # [1, S, HEAD_DIM//2]
    emb = jnp.concatenate([freqs, freqs], axis=-1)  # [1, S, HEAD_DIM]
    cos = jnp.cos(emb)
    sin = jnp.sin(emb)
    return (hidden_states, mask4d, cos, sin, cache_position, control_classes, labels)

if __name__ == "__main__":
    import jax
    _d = setup_inputs()
    print(jax.jit(kernel)(*tuple(_d.values())))

</pallas_src>

<mosaic_0001>
#map = affine_map<(d0, d1) -> (0)>
#map1 = affine_map<(d0, d1) -> (0, 0)>
module attributes {stable_mosaic.version = 14 : i64} {
  func.func @k(%arg0: i32, %arg1: i32, %arg2: memref<16384xi32, #tpu.memory_space<hbm>>, %arg3: memref<100000x2048xf32, #tpu.memory_space<hbm>>, %arg4: memref<16384x2048xf32, #tpu.memory_space<hbm>>, %arg5: memref<512xi32, #tpu.memory_space<vmem>>, %arg6: memref<16x2048xf32, #tpu.memory_space<vmem>>, %arg7: memref<16x2048xf32, #tpu.memory_space<vmem>>, %arg8: memref<!tpu.dma_semaphore, #tpu.memory_space<semaphore_mem>>, %arg9: memref<!tpu.dma_semaphore, #tpu.memory_space<semaphore_mem>>) attributes {dimension_semantics = [#tpu.dimension_semantics<core_parallel>, #tpu.dimension_semantics<subcore_parallel>], iteration_bounds = array<i64: 2, 16>, scalar_prefetch = 0 : i64, scratch_operands = 5 : i64, tpu.core_type = #tpu.core_type<sc_vector_subcore>, window_params = [{transform_indices = #map}, {transform_indices = #map1}, {transform_indices = #map1}]} {
    %mul3A = arith.constant 2 : i32
    %mul3A_0 = arith.muli %arg1, %mul3A : i32
    %add3A = arith.addi %mul3A_0, %arg0 : i32
    %mul3A_1 = arith.constant 512 : i32
    %mul3A_2 = arith.muli %add3A, %mul3A_1 : i32
    "tpu.region"() ({
      %run_scoped3A = tpu.sem_alloc : memref<!tpu.dma_semaphore, #tpu.memory_space<semaphore_mem>>
      %dma_start3A_30 = tpu.memref_slice %arg2[%mul3A_2] : memref<16384xi32, #tpu.memory_space<hbm>> -> memref<512xi32, #tpu.memory_space<hbm>>
      %dma_start3A_31 = tpu.memref_slice %arg2[%mul3A_2] : memref<16384xi32, #tpu.memory_space<hbm>> -> memref<512xi32, #tpu.memory_space<hbm>>
      tpu.enqueue_dma source(%dma_start3A_31 : memref<512xi32, #tpu.memory_space<hbm>>) target(%arg5 : memref<512xi32, #tpu.memory_space<vmem>>) target_semaphore(%run_scoped3A : memref<!tpu.dma_semaphore, #tpu.memory_space<semaphore_mem>>)
      %dma_wait3A_32 = tpu.memref_slice %arg2[%mul3A_2] : memref<16384xi32, #tpu.memory_space<hbm>> -> memref<512xi32, #tpu.memory_space<hbm>>
      %dma_wait3A_33 = tpu.memref_slice %arg2[%mul3A_2] : memref<16384xi32, #tpu.memory_space<hbm>> -> memref<512xi32, #tpu.memory_space<hbm>>
      tpu.wait_dma2 semaphore(%run_scoped3A : memref<!tpu.dma_semaphore, #tpu.memory_space<semaphore_mem>>) src(%dma_wait3A_33 : memref<512xi32, #tpu.memory_space<hbm>>) dst(%arg5 : memref<512xi32, #tpu.memory_space<vmem>>)
      tpu.yield
    }) : () -> ()
    %dma_start3A = arith.constant 0 : i32
    %dma_start3A_3 = tpu.memref_slice %arg5[%dma_start3A] : memref<512xi32, #tpu.memory_space<vmem>> -> memref<16xi32, #tpu.memory_space<vmem>>
    %dma_start3A_4 = arith.constant 0 : i32
    %dma_start3A_5 = arith.constant 0 : i32
    %dma_start3A_6 = tpu.memref_slice %arg3[%dma_start3A_4, %dma_start3A_5] : memref<100000x2048xf32, #tpu.memory_space<hbm>> -> memref<100000x2048xf32, #tpu.memory_space<hbm>>
    tpu.enqueue_indirect_dma source(%dma_start3A_6 : memref<100000x2048xf32, #tpu.memory_space<hbm>>) target(%arg6 : memref<16x2048xf32, #tpu.memory_space<vmem>>) offsets(%dma_start3A_3 : memref<16xi32, #tpu.memory_space<vmem>>) semaphore(%arg8 : memref<!tpu.dma_semaphore, #tpu.memory_space<semaphore_mem>>)
    %scan3A = arith.constant 0 : i32
    %scan3A_7 = arith.constant 0 : i32
    %scan3A_8 = arith.constant 15 : i32
    %scan3A_9 = arith.addi %scan3A_7, %scan3A_8 : i32
    %scan3A_10 = arith.constant 1 : i32
    scf.for %scan3A_30 = %scan3A_7 to %scan3A_9 step %scan3A_10  : i32 {
      %mul3A_31 = arith.constant 2 : i32
      %mul3A_32 = arith.muli %mul3A_31, %scan3A_30 : i32
      %add3A_33 = arith.constant 1 : i32
      %add3A_34 = arith.addi %mul3A_32, %add3A_33 : i32
      %mul3A_35 = arith.constant 16 : i32
      %mul3A_36 = arith.muli %add3A_34, %mul3A_35 : i32
      %dma_start3A_37 = tpu.memref_slice %arg5[%mul3A_36] : memref<512xi32, #tpu.memory_space<vmem>> -> memref<16xi32, #tpu.memory_space<vmem>>
      %dma_start3A_38 = arith.constant 0 : i32
      %dma_start3A_39 = arith.constant 0 : i32
      %dma_start3A_40 = tpu.memref_slice %arg3[%dma_start3A_38, %dma_start3A_39] : memref<100000x2048xf32, #tpu.memory_space<hbm>> -> memref<100000x2048xf32, #tpu.memory_space<hbm>>
      tpu.enqueue_indirect_dma source(%dma_start3A_40 : memref<100000x2048xf32, #tpu.memory_space<hbm>>) target(%arg7 : memref<16x2048xf32, #tpu.memory_space<vmem>>) offsets(%dma_start3A_37 : memref<16xi32, #tpu.memory_space<vmem>>) semaphore(%arg9 : memref<!tpu.dma_semaphore, #tpu.memory_space<semaphore_mem>>)
      %dma_wait3A_41 = arith.constant 0 : i32
      %dma_wait3A_42 = tpu.memref_slice %arg5[%dma_wait3A_41] : memref<512xi32, #tpu.memory_space<vmem>> -> memref<16xi32, #tpu.memory_space<vmem>>
      %dma_wait3A_43 = arith.constant 0 : i32
      %dma_wait3A_44 = arith.constant 0 : i32
      %dma_wait3A_45 = tpu.memref_slice %arg3[%dma_wait3A_43, %dma_wait3A_44] : memref<100000x2048xf32, #tpu.memory_space<hbm>> -> memref<100000x2048xf32, #tpu.memory_space<hbm>>
      tpu.wait_indirect_dma semaphore(%arg8 : memref<!tpu.dma_semaphore, #tpu.memory_space<semaphore_mem>>) src(%dma_wait3A_45 : memref<100000x2048xf32, #tpu.memory_space<hbm>>) dst(%arg6 : memref<16x2048xf32, #tpu.memory_space<vmem>>)
      %mul3A_46 = arith.constant 16 : i32
      %mul3A_47 = arith.muli %mul3A_32, %mul3A_46 : i32
      %add3A_48 = arith.addi %mul3A_2, %mul3A_47 : i32
      "tpu.region"() ({
        %run_scoped3A = tpu.sem_alloc : memref<!tpu.dma_semaphore, #tpu.memory_space<semaphore_mem>>
        %dma_start3A_67 = arith.constant 0 : i32
        %dma_start3A_68 = tpu.memref_slice %arg4[%add3A_48, %dma_start3A_67] : memref<16384x2048xf32, #tpu.memory_space<hbm>> -> memref<16x2048xf32, #tpu.memory_space<hbm>>
        %dma_start3A_69 = arith.constant 0 : i32
        %dma_start3A_70 = tpu.memref_slice %arg4[%add3A_48, %dma_start3A_69] : memref<16384x2048xf32, #tpu.memory_space<hbm>> -> memref<16x2048xf32, #tpu.memory_space<hbm>>
        tpu.enqueue_dma source(%arg6 : memref<16x2048xf32, #tpu.memory_space<vmem>>) target(%dma_start3A_70 : memref<16x2048xf32, #tpu.memory_space<hbm>>) target_semaphore(%run_scoped3A : memref<!tpu.dma_semaphore, #tpu.memory_space<semaphore_mem>>)
        %dma_wait3A_71 = arith.constant 0 : i32
        %dma_wait3A_72 = tpu.memref_slice %arg4[%add3A_48, %dma_wait3A_71] : memref<16384x2048xf32, #tpu.memory_space<hbm>> -> memref<16x2048xf32, #tpu.memory_space<hbm>>
        %dma_wait3A_73 = arith.constant 0 : i32
        %dma_wait3A_74 = tpu.memref_slice %arg4[%add3A_48, %dma_wait3A_73] : memref<16384x2048xf32, #tpu.memory_space<hbm>> -> memref<16x2048xf32, #tpu.memory_space<hbm>>
        tpu.wait_dma2 semaphore(%run_scoped3A : memref<!tpu.dma_semaphore, #tpu.memory_space<semaphore_mem>>) src(%arg6 : memref<16x2048xf32, #tpu.memory_space<vmem>>) dst(%dma_wait3A_74 : memref<16x2048xf32, #tpu.memory_space<hbm>>)
        tpu.yield
      }) : () -> ()
      %add3A_49 = arith.constant 2 : i32
      %add3A_50 = arith.addi %mul3A_32, %add3A_49 : i32
      %mul3A_51 = arith.constant 16 : i32
      %mul3A_52 = arith.muli %add3A_50, %mul3A_51 : i32
      %dma_start3A_53 = tpu.memref_slice %arg5[%mul3A_52] : memref<512xi32, #tpu.memory_space<vmem>> -> memref<16xi32, #tpu.memory_space<vmem>>
      %dma_start3A_54 = arith.constant 0 : i32
      %dma_start3A_55 = arith.constant 0 : i32
      %dma_start3A_56 = tpu.memref_slice %arg3[%dma_start3A_54, %dma_start3A_55] : memref<100000x2048xf32, #tpu.memory_space<hbm>> -> memref<100000x2048xf32, #tpu.memory_space<hbm>>
      tpu.enqueue_indirect_dma source(%dma_start3A_56 : memref<100000x2048xf32, #tpu.memory_space<hbm>>) target(%arg6 : memref<16x2048xf32, #tpu.memory_space<vmem>>) offsets(%dma_start3A_53 : memref<16xi32, #tpu.memory_space<vmem>>) semaphore(%arg8 : memref<!tpu.dma_semaphore, #tpu.memory_space<semaphore_mem>>)
      %dma_wait3A_57 = arith.constant 0 : i32
      %dma_wait3A_58 = tpu.memref_slice %arg5[%dma_wait3A_57] : memref<512xi32, #tpu.memory_space<vmem>> -> memref<16xi32, #tpu.memory_space<vmem>>
      %dma_wait3A_59 = arith.constant 0 : i32
      %dma_wait3A_60 = arith.constant 0 : i32
      %dma_wait3A_61 = tpu.memref_slice %arg3[%dma_wait3A_59, %dma_wait3A_60] : memref<100000x2048xf32, #tpu.memory_space<hbm>> -> memref<100000x2048xf32, #tpu.memory_space<hbm>>
      tpu.wait_indirect_dma semaphore(%arg9 : memref<!tpu.dma_semaphore, #tpu.memory_space<semaphore_mem>>) src(%dma_wait3A_61 : memref<100000x2048xf32, #tpu.memory_space<hbm>>) dst(%arg7 : memref<16x2048xf32, #tpu.memory_space<vmem>>)
      %add3A_62 = arith.constant 1 : i32
      %add3A_63 = arith.addi %mul3A_32, %add3A_62 : i32
      %mul3A_64 = arith.constant 16 : i32
      %mul3A_65 = arith.muli %add3A_63, %mul3A_64 : i32
      %add3A_66 = arith.addi %mul3A_2, %mul3A_65 : i32
      "tpu.region"() ({
        %run_scoped3A = tpu.sem_alloc : memref<!tpu.dma_semaphore, #tpu.memory_space<semaphore_mem>>
        %dma_start3A_67 = arith.constant 0 : i32
        %dma_start3A_68 = tpu.memref_slice %arg4[%add3A_66, %dma_start3A_67] : memref<16384x2048xf32, #tpu.memory_space<hbm>> -> memref<16x2048xf32, #tpu.memory_space<hbm>>
        %dma_start3A_69 = arith.constant 0 : i32
        %dma_start3A_70 = tpu.memref_slice %arg4[%add3A_66, %dma_start3A_69] : memref<16384x2048xf32, #tpu.memory_space<hbm>> -> memref<16x2048xf32, #tpu.memory_space<hbm>>
        tpu.enqueue_dma source(%arg7 : memref<16x2048xf32, #tpu.memory_space<vmem>>) target(%dma_start3A_70 : memref<16x2048xf32, #tpu.memory_space<hbm>>) target_semaphore(%run_scoped3A : memref<!tpu.dma_semaphore, #tpu.memory_space<semaphore_mem>>)
        %dma_wait3A_71 = arith.constant 0 : i32
        %dma_wait3A_72 = tpu.memref_slice %arg4[%add3A_66, %dma_wait3A_71] : memref<16384x2048xf32, #tpu.memory_space<hbm>> -> memref<16x2048xf32, #tpu.memory_space<hbm>>
        %dma_wait3A_73 = arith.constant 0 : i32
        %dma_wait3A_74 = tpu.memref_slice %arg4[%add3A_66, %dma_wait3A_73] : memref<16384x2048xf32, #tpu.memory_space<hbm>> -> memref<16x2048xf32, #tpu.memory_space<hbm>>
        tpu.wait_dma2 semaphore(%run_scoped3A : memref<!tpu.dma_semaphore, #tpu.memory_space<semaphore_mem>>) src(%arg7 : memref<16x2048xf32, #tpu.memory_space<vmem>>) dst(%dma_wait3A_74 : memref<16x2048xf32, #tpu.memory_space<hbm>>)
        tpu.yield
      }) : () -> ()
    }
    %scan3A_11 = arith.constant 15 : i32
    %dma_start3A_12 = arith.constant 496 : i32
    %dma_start3A_13 = tpu.memref_slice %arg5[%dma_start3A_12] : memref<512xi32, #tpu.memory_space<vmem>> -> memref<16xi32, #tpu.memory_space<vmem>>
    %dma_start3A_14 = arith.constant 0 : i32
    %dma_start3A_15 = arith.constant 0 : i32
    %dma_start3A_16 = tpu.memref_slice %arg3[%dma_start3A_14, %dma_start3A_15] : memref<100000x2048xf32, #tpu.memory_space<hbm>> -> memref<100000x2048xf32, #tpu.memory_space<hbm>>
    tpu.enqueue_indirect_dma source(%dma_start3A_16 : memref<100000x2048xf32, #tpu.memory_space<hbm>>) target(%arg7 : memref<16x2048xf32, #tpu.memory_space<vmem>>) offsets(%dma_start3A_13 : memref<16xi32, #tpu.memory_space<vmem>>) semaphore(%arg9 : memref<!tpu.dma_semaphore, #tpu.memory_space<semaphore_mem>>)
    %dma_wait3A = arith.constant 0 : i32
    %dma_wait3A_17 = tpu.memref_slice %arg5[%dma_wait3A] : memref<512xi32, #tpu.memory_space<vmem>> -> memref<16xi32, #tpu.memory_space<vmem>>
    %dma_wait3A_18 = arith.constant 0 : i32
    %dma_wait3A_19 = arith.constant 0 : i32
    %dma_wait3A_20 = tpu.memref_slice %arg3[%dma_wait3A_18, %dma_wait3A_19] : memref<100000x2048xf32, #tpu.memory_space<hbm>> -> memref<100000x2048xf32, #tpu.memory_space<hbm>>
    tpu.wait_indirect_dma semaphore(%arg8 : memref<!tpu.dma_semaphore, #tpu.memory_space<semaphore_mem>>) src(%dma_wait3A_20 : memref<100000x2048xf32, #tpu.memory_space<hbm>>) dst(%arg6 : memref<16x2048xf32, #tpu.memory_space<vmem>>)
    %add3A_21 = arith.constant 480 : i32
    %add3A_22 = arith.addi %mul3A_2, %add3A_21 : i32
    "tpu.region"() ({
      %run_scoped3A = tpu.sem_alloc : memref<!tpu.dma_semaphore, #tpu.memory_space<semaphore_mem>>
      %dma_start3A_30 = arith.constant 0 : i32
      %dma_start3A_31 = tpu.memref_slice %arg4[%add3A_22, %dma_start3A_30] : memref<16384x2048xf32, #tpu.memory_space<hbm>> -> memref<16x2048xf32, #tpu.memory_space<hbm>>
      %dma_start3A_32 = arith.constant 0 : i32
      %dma_start3A_33 = tpu.memref_slice %arg4[%add3A_22, %dma_start3A_32] : memref<16384x2048xf32, #tpu.memory_space<hbm>> -> memref<16x2048xf32, #tpu.memory_space<hbm>>
      tpu.enqueue_dma source(%arg6 : memref<16x2048xf32, #tpu.memory_space<vmem>>) target(%dma_start3A_33 : memref<16x2048xf32, #tpu.memory_space<hbm>>) target_semaphore(%run_scoped3A : memref<!tpu.dma_semaphore, #tpu.memory_space<semaphore_mem>>)
      %dma_wait3A_34 = arith.constant 0 : i32
      %dma_wait3A_35 = tpu.memref_slice %arg4[%add3A_22, %dma_wait3A_34] : memref<16384x2048xf32, #tpu.memory_space<hbm>> -> memref<16x2048xf32, #tpu.memory_space<hbm>>
      %dma_wait3A_36 = arith.constant 0 : i32
      %dma_wait3A_37 = tpu.memref_slice %arg4[%add3A_22, %dma_wait3A_36] : memref<16384x2048xf32, #tpu.memory_space<hbm>> -> memref<16x2048xf32, #tpu.memory_space<hbm>>
      tpu.wait_dma2 semaphore(%run_scoped3A : memref<!tpu.dma_semaphore, #tpu.memory_space<semaphore_mem>>) src(%arg6 : memref<16x2048xf32, #tpu.memory_space<vmem>>) dst(%dma_wait3A_37 : memref<16x2048xf32, #tpu.memory_space<hbm>>)
      tpu.yield
    }) : () -> ()
    %dma_wait3A_23 = arith.constant 0 : i32
    %dma_wait3A_24 = tpu.memref_slice %arg5[%dma_wait3A_23] : memref<512xi32, #tpu.memory_space<vmem>> -> memref<16xi32, #tpu.memory_space<vmem>>
    %dma_wait3A_25 = arith.constant 0 : i32
    %dma_wait3A_26 = arith.constant 0 : i32
    %dma_wait3A_27 = tpu.memref_slice %arg3[%dma_wait3A_25, %dma_wait3A_26] : memref<100000x2048xf32, #tpu.memory_space<hbm>> -> memref<100000x2048xf32, #tpu.memory_space<hbm>>
    tpu.wait_indirect_dma semaphore(%arg9 : memref<!tpu.dma_semaphore, #tpu.memory_space<semaphore_mem>>) src(%dma_wait3A_27 : memref<100000x2048xf32, #tpu.memory_space<hbm>>) dst(%arg7 : memref<16x2048xf32, #tpu.memory_space<vmem>>)
    %add3A_28 = arith.constant 496 : i32
    %add3A_29 = arith.addi %mul3A_2, %add3A_28 : i32
    "tpu.region"() ({
      %run_scoped3A = tpu.sem_alloc : memref<!tpu.dma_semaphore, #tpu.memory_space<semaphore_mem>>
      %dma_start3A_30 = arith.constant 0 : i32
      %dma_start3A_31 = tpu.memref_slice %arg4[%add3A_29, %dma_start3A_30] : memref<16384x2048xf32, #tpu.memory_space<hbm>> -> memref<16x2048xf32, #tpu.memory_space<hbm>>
      %dma_start3A_32 = arith.constant 0 : i32
      %dma_start3A_33 = tpu.memref_slice %arg4[%add3A_29, %dma_start3A_32] : memref<16384x2048xf32, #tpu.memory_space<hbm>> -> memref<16x2048xf32, #tpu.memory_space<hbm>>
      tpu.enqueue_dma source(%arg7 : memref<16x2048xf32, #tpu.memory_space<vmem>>) target(%dma_start3A_33 : memref<16x2048xf32, #tpu.memory_space<hbm>>) target_semaphore(%run_scoped3A : memref<!tpu.dma_semaphore, #tpu.memory_space<semaphore_mem>>)
      %dma_wait3A_34 = arith.constant 0 : i32
      %dma_wait3A_35 = tpu.memref_slice %arg4[%add3A_29, %dma_wait3A_34] : memref<16384x2048xf32, #tpu.memory_space<hbm>> -> memref<16x2048xf32, #tpu.memory_space<hbm>>
      %dma_wait3A_36 = arith.constant 0 : i32
      %dma_wait3A_37 = tpu.memref_slice %arg4[%add3A_29, %dma_wait3A_36] : memref<16384x2048xf32, #tpu.memory_space<hbm>> -> memref<16x2048xf32, #tpu.memory_space<hbm>>
      tpu.wait_dma2 semaphore(%run_scoped3A : memref<!tpu.dma_semaphore, #tpu.memory_space<semaphore_mem>>) src(%arg7 : memref<16x2048xf32, #tpu.memory_space<vmem>>) dst(%dma_wait3A_37 : memref<16x2048xf32, #tpu.memory_space<hbm>>)
      tpu.yield
    }) : () -> ()
    return
  }
}

module attributes {stable_mosaic.version = 14 : i64} {
  func.func @_mask_rope_body(%arg0: i32, %arg1: i32, %arg2: memref<1x1x4096xi32, #tpu.memory_space<vmem>>, %arg3: memref<1x512xi32, #tpu.memory_space<vmem>>, %arg4: memref<1x1x512x4096xf32, #tpu.memory_space<vmem>>, %arg5: memref<1x512x128xf32, #tpu.memory_space<vmem>>, %arg6: memref<1x512x128xf32, #tpu.memory_space<vmem>>) attributes {dimension_semantics = [#tpu.dimension_semantics<arbitrary>, #tpu.dimension_semantics<arbitrary>], iteration_bounds = array<i64: 8, 4>, scalar_prefetch = 0 : i64, scratch_operands = 0 : i64, tpu.core_type = #tpu.core_type<tc>, window_params = [{transform_indices = @transform_0, window_bounds = array<i64: 1, 1, 4096>}, {transform_indices = @transform_1, window_bounds = array<i64: 1, 512>}, {transform_indices = @transform_2, window_bounds = array<i64: 1, 1, 512, 4096>}, {transform_indices = @transform_3, window_bounds = array<i64: 1, 512, 128>}, {transform_indices = @transform_4, window_bounds = array<i64: 1, 512, 128>}]} {
    %mul3A = arith.constant 512 : i32
    %mul3A_0 = arith.muli %arg0, %mul3A : i32
    %get3A = arith.constant 0 : index
    %get3A_1 = arith.constant 0 : index
    %get3A_2 = arith.constant 0 : index
    %get3A_3 = vector.load %arg2[%get3A, %get3A_1, %get3A_2] : memref<1x1x4096xi32, #tpu.memory_space<vmem>>, vector<1x1x4096xi32>
    %get3A_4 = vector.shape_cast %get3A_3 : vector<1x1x4096xi32> to vector<4096xi32>
    %iota3A = tpu.iota {dimensions = array<i32: 1>} : vector<512x512xi32>
    %iota3A_5 = tpu.iota {dimensions = array<i32: 0>} : vector<512x512xi32>
    %gt3A = arith.cmpi sgt, %iota3A, %iota3A_5 : vector<512x512xi32>
    %jit3A = arith.constant -3.40282347E+38 : f32
    %jit3A_6 = arith.constant 0.000000e+00 : f32
    %broadcast_in_dim3A = vector.broadcast %jit3A : f32 to vector<512x512xf32>
    %broadcast_in_dim3A_7 = vector.broadcast %jit3A_6 : f32 to vector<512x512xf32>
    %select_n3A = arith.select %gt3A, %broadcast_in_dim3A, %broadcast_in_dim3A_7 : vector<512x512xi1>, vector<512x512xf32>
    %broadcast_in_dim3A_8 = arith.constant -3.40282347E+38 : f32
    %broadcast_in_dim3A_9 = vector.broadcast %broadcast_in_dim3A_8 : f32 to vector<512x512xf32>
    %slice3A = vector.extract_strided_slice %get3A_4 {offsets = [0], sizes = [512], strides = [1]} : vector<4096xi32> to vector<512xi32>
    %broadcast_in_dim3A_10 = vector.shape_cast %slice3A : vector<512xi32> to vector<1x512xi32>
    %eq3A = arith.constant 0 : i32
    %eq3A_11 = vector.broadcast %eq3A : i32 to vector<1x512xi32>
    %eq3A_12 = arith.cmpi eq, %broadcast_in_dim3A_10, %eq3A_11 : vector<1x512xi32>
    %jit3A_13 = arith.constant -3.40282347E+38 : f32
    %jit3A_14 = arith.constant 0.000000e+00 : f32
    %broadcast_in_dim3A_15 = vector.broadcast %jit3A_13 : f32 to vector<1x512xf32>
    %broadcast_in_dim3A_16 = vector.broadcast %jit3A_14 : f32 to vector<1x512xf32>
    %select_n3A_17 = arith.select %eq3A_12, %broadcast_in_dim3A_15, %broadcast_in_dim3A_16 : vector<1x512xi1>, vector<1x512xf32>
    %ge3A = arith.constant 511 : i32
    %ge3A_18 = arith.cmpi sge, %mul3A_0, %ge3A : i32
    %convert_element_type3A = arith.extui %ge3A_18 : i1 to i32
    %cond3A = arith.constant 0 : i32
    %cond3A_19 = arith.cmpi ne, %convert_element_type3A, %cond3A : i32
    scf.if %cond3A_19 {
      %broadcast_in_dim3A_294 = vector.shape_cast %select_n3A_17 : vector<1x512xf32> to vector<1x512xf32>
      %broadcast_in_dim3A_295 = vector.broadcast %broadcast_in_dim3A_294 : vector<1x512xf32> to vector<512x512xf32>
      %swap3A = arith.constant 0 : index
      %swap3A_296 = arith.constant 0 : index
      %swap3A_297 = arith.constant 0 : index
      %swap3A_298 = arith.constant 0 : index
      %swap3A_299 = vector.load %arg4[%swap3A, %swap3A_296, %swap3A_297, %swap3A_298] : memref<1x1x512x4096xf32, #tpu.memory_space<vmem>>, vector<1x1x512x512xf32>
      %swap3A_300 = vector.shape_cast %swap3A_299 : vector<1x1x512x512xf32> to vector<512x512xf32>
      %swap3A_301 = vector.shape_cast %broadcast_in_dim3A_295 : vector<512x512xf32> to vector<1x1x512x512xf32>
      tpu.vector_store %arg4[%swap3A, %swap3A_296, %swap3A_297, %swap3A_298], %swap3A_301 {strides = array<i32>} : memref<1x1x512x4096xf32, #tpu.memory_space<vmem>>, vector<1x1x512x512xf32>,
    } else {
    }
    %add3A = arith.constant 512 : i32
    %add3A_20 = arith.addi %mul3A_0, %add3A : i32
    %sub3A = arith.constant 1 : i32
    %sub3A_21 = arith.subi %add3A_20, %sub3A : i32
    %lt3A = arith.constant 0 : i32
    %lt3A_22 = arith.cmpi slt, %sub3A_21, %lt3A : i32
    %convert_element_type3A_23 = arith.extui %lt3A_22 : i1 to i32
    %cond3A_24 = arith.constant 0 : i32
    %cond3A_25 = arith.cmpi ne, %convert_element_type3A_23, %cond3A_24 : i32
    scf.if %cond3A_25 {
      %swap3A = arith.constant 0 : index
      %swap3A_294 = arith.constant 0 : index
      %swap3A_295 = arith.constant 0 : index
      %swap3A_296 = arith.constant 0 : index
      %swap3A_297 = vector.load %arg4[%swap3A, %swap3A_294, %swap3A_295, %swap3A_296] : memref<1x1x512x4096xf32, #tpu.memory_space<vmem>>, vector<1x1x512x512xf32>
      %swap3A_298 = vector.shape_cast %swap3A_297 : vector<1x1x512x512xf32> to vector<512x512xf32>
      %swap3A_299 = vector.shape_cast %broadcast_in_dim3A_9 : vector<512x512xf32> to vector<1x1x512x512xf32>
      tpu.vector_store %arg4[%swap3A, %swap3A_294, %swap3A_295, %swap3A_296], %swap3A_299 {strides = array<i32>} : memref<1x1x512x4096xf32, #tpu.memory_space<vmem>>, vector<1x1x512x512xf32>,
    } else {
    }
    %lt3A_26 = arith.constant 511 : i32
    %lt3A_27 = arith.cmpi slt, %mul3A_0, %lt3A_26 : i32
    %add3A_28 = arith.constant 512 : i32
    %add3A_29 = arith.addi %mul3A_0, %add3A_28 : i32
    %sub3A_30 = arith.constant 1 : i32
    %sub3A_31 = arith.subi %add3A_29, %sub3A_30 : i32
    %ge3A_32 = arith.constant 0 : i32
    %ge3A_33 = arith.cmpi sge, %sub3A_31, %ge3A_32 : i32
    %and3A = arith.andi %lt3A_27, %ge3A_33 : i1
    %convert_element_type3A_34 = arith.extui %and3A : i1 to i32
    %cond3A_35 = arith.constant 0 : i32
    %cond3A_36 = arith.cmpi ne, %convert_element_type3A_34, %cond3A_35 : i32
    scf.if %cond3A_36 {
      %broadcast_in_dim3A_294 = vector.shape_cast %select_n3A_17 : vector<1x512xf32> to vector<1x512xf32>
      %broadcast_in_dim3A_295 = vector.broadcast %broadcast_in_dim3A_294 : vector<1x512xf32> to vector<512x512xf32>
      %min3A = arith.minimumf %select_n3A, %broadcast_in_dim3A_295 : vector<512x512xf32>
      %swap3A = arith.constant 0 : index
      %swap3A_296 = arith.constant 0 : index
      %swap3A_297 = arith.constant 0 : index
      %swap3A_298 = arith.constant 0 : index
      %swap3A_299 = vector.load %arg4[%swap3A, %swap3A_296, %swap3A_297, %swap3A_298] : memref<1x1x512x4096xf32, #tpu.memory_space<vmem>>, vector<1x1x512x512xf32>
      %swap3A_300 = vector.shape_cast %swap3A_299 : vector<1x1x512x512xf32> to vector<512x512xf32>
      %swap3A_301 = vector.shape_cast %min3A : vector<512x512xf32> to vector<1x1x512x512xf32>
      tpu.vector_store %arg4[%swap3A, %swap3A_296, %swap3A_297, %swap3A_298], %swap3A_301 {strides = array<i32>} : memref<1x1x512x4096xf32, #tpu.memory_space<vmem>>, vector<1x1x512x512xf32>,
    } else {
    }
    %slice3A_37 = vector.extract_strided_slice %get3A_4 {offsets = [512], sizes = [512], strides = [1]} : vector<4096xi32> to vector<512xi32>
    %broadcast_in_dim3A_38 = vector.shape_cast %slice3A_37 : vector<512xi32> to vector<1x512xi32>
    %eq3A_39 = arith.constant 0 : i32
    %eq3A_40 = vector.broadcast %eq3A_39 : i32 to vector<1x512xi32>
    %eq3A_41 = arith.cmpi eq, %broadcast_in_dim3A_38, %eq3A_40 : vector<1x512xi32>
    %jit3A_42 = arith.constant -3.40282347E+38 : f32
    %jit3A_43 = arith.constant 0.000000e+00 : f32
    %broadcast_in_dim3A_44 = vector.broadcast %jit3A_42 : f32 to vector<1x512xf32>
    %broadcast_in_dim3A_45 = vector.broadcast %jit3A_43 : f32 to vector<1x512xf32>
    %select_n3A_46 = arith.select %eq3A_41, %broadcast_in_dim3A_44, %broadcast_in_dim3A_45 : vector<1x512xi1>, vector<1x512xf32>
    %ge3A_47 = arith.constant 1023 : i32
    %ge3A_48 = arith.cmpi sge, %mul3A_0, %ge3A_47 : i32
    %convert_element_type3A_49 = arith.extui %ge3A_48 : i1 to i32
    %cond3A_50 = arith.constant 0 : i32
    %cond3A_51 = arith.cmpi ne, %convert_element_type3A_49, %cond3A_50 : i32
    scf.if %cond3A_51 {
      %broadcast_in_dim3A_294 = vector.shape_cast %select_n3A_46 : vector<1x512xf32> to vector<1x512xf32>
      %broadcast_in_dim3A_295 = vector.broadcast %broadcast_in_dim3A_294 : vector<1x512xf32> to vector<512x512xf32>
      %swap3A = arith.constant 0 : index
      %swap3A_296 = arith.constant 0 : index
      %swap3A_297 = arith.constant 0 : index
      %swap3A_298 = arith.constant 512 : index
      %swap3A_299 = vector.load %arg4[%swap3A, %swap3A_296, %swap3A_297, %swap3A_298] : memref<1x1x512x4096xf32, #tpu.memory_space<vmem>>, vector<1x1x512x512xf32>
      %swap3A_300 = vector.shape_cast %swap3A_299 : vector<1x1x512x512xf32> to vector<512x512xf32>
      %swap3A_301 = vector.shape_cast %broadcast_in_dim3A_295 : vector<512x512xf32> to vector<1x1x512x512xf32>
      tpu.vector_store %arg4[%swap3A, %swap3A_296, %swap3A_297, %swap3A_298], %swap3A_301 {strides = array<i32>} : memref<1x1x512x4096xf32, #tpu.memory_space<vmem>>, vector<1x1x512x512xf32>,
    } else {
    }
    %add3A_52 = arith.constant 512 : i32
    %add3A_53 = arith.addi %mul3A_0, %add3A_52 : i32
    %sub3A_54 = arith.constant 1 : i32
    %sub3A_55 = arith.subi %add3A_53, %sub3A_54 : i32
    %lt3A_56 = arith.constant 512 : i32
    %lt3A_57 = arith.cmpi slt, %sub3A_55, %lt3A_56 : i32
    %convert_element_type3A_58 = arith.extui %lt3A_57 : i1 to i32
    %cond3A_59 = arith.constant 0 : i32
    %cond3A_60 = arith.cmpi ne, %convert_element_type3A_58, %cond3A_59 : i32
    scf.if %cond3A_60 {
      %swap3A = arith.constant 0 : index
      %swap3A_294 = arith.constant 0 : index
      %swap3A_295 = arith.constant 0 : index
      %swap3A_296 = arith.constant 512 : index
      %swap3A_297 = vector.load %arg4[%swap3A, %swap3A_294, %swap3A_295, %swap3A_296] : memref<1x1x512x4096xf32, #tpu.memory_space<vmem>>, vector<1x1x512x512xf32>
      %swap3A_298 = vector.shape_cast %swap3A_297 : vector<1x1x512x512xf32> to vector<512x512xf32>
      %swap3A_299 = vector.shape_cast %broadcast_in_dim3A_9 : vector<512x512xf32> to vector<1x1x512x512xf32>
      tpu.vector_store %arg4[%swap3A, %swap3A_294, %swap3A_295, %swap3A_296], %swap3A_299 {strides = array<i32>} : memref<1x1x512x4096xf32, #tpu.memory_space<vmem>>, vector<1x1x512x512xf32>,
    } else {
    }
    %lt3A_61 = arith.constant 1023 : i32
    %lt3A_62 = arith.cmpi slt, %mul3A_0, %lt3A_61 : i32
    %add3A_63 = arith.constant 512 : i32
    %add3A_64 = arith.addi %mul3A_0, %add3A_63 : i32
    %sub3A_65 = arith.constant 1 : i32
    %sub3A_66 = arith.subi %add3A_64, %sub3A_65 : i32
    %ge3A_67 = arith.constant 512 : i32
    %ge3A_68 = arith.cmpi sge, %sub3A_66, %ge3A_67 : i32
    %and3A_69 = arith.andi %lt3A_62, %ge3A_68 : i1
    %convert_element_type3A_70 = arith.extui %and3A_69 : i1 to i32
    %cond3A_71 = arith.constant 0 : i32
    %cond3A_72 = arith.cmpi ne, %convert_element_type3A_70, %cond3A_71 : i32
    scf.if %cond3A_72 {
      %broadcast_in_dim3A_294 = vector.shape_cast %select_n3A_46 : vector<1x512xf32> to vector<1x512xf32>
      %broadcast_in_dim3A_295 = vector.broadcast %broadcast_in_dim3A_294 : vector<1x512xf32> to vector<512x512xf32>
      %min3A = arith.minimumf %select_n3A, %broadcast_in_dim3A_295 : vector<512x512xf32>
      %swap3A = arith.constant 0 : index
      %swap3A_296 = arith.constant 0 : index
      %swap3A_297 = arith.constant 0 : index
      %swap3A_298 = arith.constant 512 : index
      %swap3A_299 = vector.load %arg4[%swap3A, %swap3A_296, %swap3A_297, %swap3A_298] : memref<1x1x512x4096xf32, #tpu.memory_space<vmem>>, vector<1x1x512x512xf32>
      %swap3A_300 = vector.shape_cast %swap3A_299 : vector<1x1x512x512xf32> to vector<512x512xf32>
      %swap3A_301 = vector.shape_cast %min3A : vector<512x512xf32> to vector<1x1x512x512xf32>
      tpu.vector_store %arg4[%swap3A, %swap3A_296, %swap3A_297, %swap3A_298], %swap3A_301 {strides = array<i32>} : memref<1x1x512x4096xf32, #tpu.memory_space<vmem>>, vector<1x1x512x512xf32>,
    } else {
    }
    %slice3A_73 = vector.extract_strided_slice %get3A_4 {offsets = [1024], sizes = [512], strides = [1]} : vector<4096xi32> to vector<512xi32>
    %broadcast_in_dim3A_74 = vector.shape_cast %slice3A_73 : vector<512xi32> to vector<1x512xi32>
    %eq3A_75 = arith.constant 0 : i32
    %eq3A_76 = vector.broadcast %eq3A_75 : i32 to vector<1x512xi32>
    %eq3A_77 = arith.cmpi eq, %broadcast_in_dim3A_74, %eq3A_76 : vector<1x512xi32>
    %jit3A_78 = arith.constant -3.40282347E+38 : f32
    %jit3A_79 = arith.constant 0.000000e+00 : f32
    %broadcast_in_dim3A_80 = vector.broadcast %jit3A_78 : f32 to vector<1x512xf32>
    %broadcast_in_dim3A_81 = vector.broadcast %jit3A_79 : f32 to vector<1x512xf32>
    %select_n3A_82 = arith.select %eq3A_77, %broadcast_in_dim3A_80, %broadcast_in_dim3A_81 : vector<1x512xi1>, vector<1x512xf32>
    %ge3A_83 = arith.constant 1535 : i32
    %ge3A_84 = arith.cmpi sge, %mul3A_0, %ge3A_83 : i32
    %convert_element_type3A_85 = arith.extui %ge3A_84 : i1 to i32
    %cond3A_86 = arith.constant 0 : i32
    %cond3A_87 = arith.cmpi ne, %convert_element_type3A_85, %cond3A_86 : i32
    scf.if %cond3A_87 {
      %broadcast_in_dim3A_294 = vector.shape_cast %select_n3A_82 : vector<1x512xf32> to vector<1x512xf32>
      %broadcast_in_dim3A_295 = vector.broadcast %broadcast_in_dim3A_294 : vector<1x512xf32> to vector<512x512xf32>
      %swap3A = arith.constant 0 : index
      %swap3A_296 = arith.constant 0 : index
      %swap3A_297 = arith.constant 0 : index
      %swap3A_298 = arith.constant 1024 : index
      %swap3A_299 = vector.load %arg4[%swap3A, %swap3A_296, %swap3A_297, %swap3A_298] : memref<1x1x512x4096xf32, #tpu.memory_space<vmem>>, vector<1x1x512x512xf32>
      %swap3A_300 = vector.shape_cast %swap3A_299 : vector<1x1x512x512xf32> to vector<512x512xf32>
      %swap3A_301 = vector.shape_cast %broadcast_in_dim3A_295 : vector<512x512xf32> to vector<1x1x512x512xf32>
      tpu.vector_store %arg4[%swap3A, %swap3A_296, %swap3A_297, %swap3A_298], %swap3A_301 {strides = array<i32>} : memref<1x1x512x4096xf32, #tpu.memory_space<vmem>>, vector<1x1x512x512xf32>,
    } else {
    }
    %add3A_88 = arith.constant 512 : i32
    %add3A_89 = arith.addi %mul3A_0, %add3A_88 : i32
    %sub3A_90 = arith.constant 1 : i32
    %sub3A_91 = arith.subi %add3A_89, %sub3A_90 : i32
    %lt3A_92 = arith.constant 1024 : i32
    %lt3A_93 = arith.cmpi slt, %sub3A_91, %lt3A_92 : i32
    %convert_element_type3A_94 = arith.extui %lt3A_93 : i1 to i32
    %cond3A_95 = arith.constant 0 : i32
    %cond3A_96 = arith.cmpi ne, %convert_element_type3A_94, %cond3A_95 : i32
    scf.if %cond3A_96 {
      %swap3A = arith.constant 0 : index
      %swap3A_294 = arith.constant 0 : index
      %swap3A_295 = arith.constant 0 : index
      %swap3A_296 = arith.constant 1024 : index
      %swap3A_297 = vector.load %arg4[%swap3A, %swap3A_294, %swap3A_295, %swap3A_296] : memref<1x1x512x4096xf32, #tpu.memory_space<vmem>>, vector<1x1x512x512xf32>
      %swap3A_298 = vector.shape_cast %swap3A_297 : vector<1x1x512x512xf32> to vector<512x512xf32>
      %swap3A_299 = vector.shape_cast %broadcast_in_dim3A_9 : vector<512x512xf32> to vector<1x1x512x512xf32>
      tpu.vector_store %arg4[%swap3A, %swap3A_294, %swap3A_295, %swap3A_296], %swap3A_299 {strides = array<i32>} : memref<1x1x512x4096xf32, #tpu.memory_space<vmem>>, vector<1x1x512x512xf32>,
    } else {
    }
    %lt3A_97 = arith.constant 1535 : i32
    %lt3A_98 = arith.cmpi slt, %mul3A_0, %lt3A_97 : i32
    %add3A_99 = arith.constant 512 : i32
    %add3A_100 = arith.addi %mul3A_0, %add3A_99 : i32
    %sub3A_101 = arith.constant 1 : i32
    %sub3A_102 = arith.subi %add3A_100, %sub3A_101 : i32
    %ge3A_103 = arith.constant 1024 : i32
    %ge3A_104 = arith.cmpi sge, %sub3A_102, %ge3A_103 : i32
    %and3A_105 = arith.andi %lt3A_98, %ge3A_104 : i1
    %convert_element_type3A_106 = arith.extui %and3A_105 : i1 to i32
    %cond3A_107 = arith.constant 0 : i32
    %cond3A_108 = arith.cmpi ne, %convert_element_type3A_106, %cond3A_107 : i32
    scf.if %cond3A_108 {
      %broadcast_in_dim3A_294 = vector.shape_cast %select_n3A_82 : vector<1x512xf32> to vector<1x512xf32>
      %broadcast_in_dim3A_295 = vector.broadcast %broadcast_in_dim3A_294 : vector<1x512xf32> to vector<512x512xf32>
      %min3A = arith.minimumf %select_n3A, %broadcast_in_dim3A_295 : vector<512x512xf32>
      %swap3A = arith.constant 0 : index
      %swap3A_296 = arith.constant 0 : index
      %swap3A_297 = arith.constant 0 : index
      %swap3A_298 = arith.constant 1024 : index
      %swap3A_299 = vector.load %arg4[%swap3A, %swap3A_296, %swap3A_297, %swap3A_298] : memref<1x1x512x4096xf32, #tpu.memory_space<vmem>>, vector<1x1x512x512xf32>
      %swap3A_300 = vector.shape_cast %swap3A_299 : vector<1x1x512x512xf32> to vector<512x512xf32>
      %swap3A_301 = vector.shape_cast %min3A : vector<512x512xf32> to vector<1x1x512x512xf32>
      tpu.vector_store %arg4[%swap3A, %swap3A_296, %swap3A_297, %swap3A_298], %swap3A_301 {strides = array<i32>} : memref<1x1x512x4096xf32, #tpu.memory_space<vmem>>, vector<1x1x512x512xf32>,
    } else {
    }
    %slice3A_109 = vector.extract_strided_slice %get3A_4 {offsets = [1536], sizes = [512], strides = [1]} : vector<4096xi32> to vector<512xi32>
    %broadcast_in_dim3A_110 = vector.shape_cast %slice3A_109 : vector<512xi32> to vector<1x512xi32>
    %eq3A_111 = arith.constant 0 : i32
    %eq3A_112 = vector.broadcast %eq3A_111 : i32 to vector<1x512xi32>
    %eq3A_113 = arith.cmpi eq, %broadcast_in_dim3A_110, %eq3A_112 : vector<1x512xi32>
    %jit3A_114 = arith.constant -3.40282347E+38 : f32
    %jit3A_115 = arith.constant 0.000000e+00 : f32
    %broadcast_in_dim3A_116 = vector.broadcast %jit3A_114 : f32 to vector<1x512xf32>
    %broadcast_in_dim3A_117 = vector.broadcast %jit3A_115 : f32 to vector<1x512xf32>
    %select_n3A_118 = arith.select %eq3A_113, %broadcast_in_dim3A_116, %broadcast_in_dim3A_117 : vector<1x512xi1>, vector<1x512xf32>
    %ge3A_119 = arith.constant 2047 : i32
    %ge3A_120 = arith.cmpi sge, %mul3A_0, %ge3A_119 : i32
    %convert_element_type3A_121 = arith.extui %ge3A_120 : i1 to i32
    %cond3A_122 = arith.constant 0 : i32
    %cond3A_123 = arith.cmpi ne, %convert_element_type3A_121, %cond3A_122 : i32
    scf.if %cond3A_123 {
      %broadcast_in_dim3A_294 = vector.shape_cast %select_n3A_118 : vector<1x512xf32> to vector<1x512xf32>
      %broadcast_in_dim3A_295 = vector.broadcast %broadcast_in_dim3A_294 : vector<1x512xf32> to vector<512x512xf32>
      %swap3A = arith.constant 0 : index
      %swap3A_296 = arith.constant 0 : index
      %swap3A_297 = arith.constant 0 : index
      %swap3A_298 = arith.constant 1536 : index
      %swap3A_299 = vector.load %arg4[%swap3A, %swap3A_296, %swap3A_297, %swap3A_298] : memref<1x1x512x4096xf32, #tpu.memory_space<vmem>>, vector<1x1x512x512xf32>
      %swap3A_300 = vector.shape_cast %swap3A_299 : vector<1x1x512x512xf32> to vector<512x512xf32>
      %swap3A_301 = vector.shape_cast %broadcast_in_dim3A_295 : vector<512x512xf32> to vector<1x1x512x512xf32>
      tpu.vector_store %arg4[%swap3A, %swap3A_296, %swap3A_297, %swap3A_298], %swap3A_301 {strides = array<i32>} : memref<1x1x512x4096xf32, #tpu.memory_space<vmem>>, vector<1x1x512x512xf32>,
    } else {
    }
    %add3A_124 = arith.constant 512 : i32
    %add3A_125 = arith.addi %mul3A_0, %add3A_124 : i32
    %sub3A_126 = arith.constant 1 : i32
    %sub3A_127 = arith.subi %add3A_125, %sub3A_126 : i32
    %lt3A_128 = arith.constant 1536 : i32
    %lt3A_129 = arith.cmpi slt, %sub3A_127, %lt3A_128 : i32
    %convert_element_type3A_130 = arith.extui %lt3A_129 : i1 to i32
    %cond3A_131 = arith.constant 0 : i32
    %cond3A_132 = arith.cmpi ne, %convert_element_type3A_130, %cond3A_131 : i32
    scf.if %cond3A_132 {
      %swap3A = arith.constant 0 : index
      %swap3A_294 = arith.constant 0 : index
      %swap3A_295 = arith.constant 0 : index
      %swap3A_296 = arith.constant 1536 : index
      %swap3A_297 = vector.load %arg4[%swap3A, %swap3A_294, %swap3A_295, %swap3A_296] : memref<1x1x512x4096xf32, #tpu.memory_space<vmem>>, vector<1x1x512x512xf32>
      %swap3A_298 = vector.shape_cast %swap3A_297 : vector<1x1x512x512xf32> to vector<512x512xf32>
      %swap3A_299 = vector.shape_cast %broadcast_in_dim3A_9 : vector<512x512xf32> to vector<1x1x512x512xf32>
      tpu.vector_store %arg4[%swap3A, %swap3A_294, %swap3A_295, %swap3A_296], %swap3A_299 {strides = array<i32>} : memref<1x1x512x4096xf32, #tpu.memory_space<vmem>>, vector<1x1x512x512xf32>,
    } else {
    }
    %lt3A_133 = arith.constant 2047 : i32
    %lt3A_134 = arith.cmpi slt, %mul3A_0, %lt3A_133 : i32
    %add3A_135 = arith.constant 512 : i32
    %add3A_136 = arith.addi %mul3A_0, %add3A_135 : i32
    %sub3A_137 = arith.constant 1 : i32
    %sub3A_138 = arith.subi %add3A_136, %sub3A_137 : i32
    %ge3A_139 = arith.constant 1536 : i32
    %ge3A_140 = arith.cmpi sge, %sub3A_138, %ge3A_139 : i32
    %and3A_141 = arith.andi %lt3A_134, %ge3A_140 : i1
    %convert_element_type3A_142 = arith.extui %and3A_141 : i1 to i32
    %cond3A_143 = arith.constant 0 : i32
    %cond3A_144 = arith.cmpi ne, %convert_element_type3A_142, %cond3A_143 : i32
    scf.if %cond3A_144 {
      %broadcast_in_dim3A_294 = vector.shape_cast %select_n3A_118 : vector<1x512xf32> to vector<1x512xf32>
      %broadcast_in_dim3A_295 = vector.broadcast %broadcast_in_dim3A_294 : vector<1x512xf32> to vector<512x512xf32>
      %min3A = arith.minimumf %select_n3A, %broadcast_in_dim3A_295 : vector<512x512xf32>
      %swap3A = arith.constant 0 : index
      %swap3A_296 = arith.constant 0 : index
      %swap3A_297 = arith.constant 0 : index
      %swap3A_298 = arith.constant 1536 : index
      %swap3A_299 = vector.load %arg4[%swap3A, %swap3A_296, %swap3A_297, %swap3A_298] : memref<1x1x512x4096xf32, #tpu.memory_space<vmem>>, vector<1x1x512x512xf32>
      %swap3A_300 = vector.shape_cast %swap3A_299 : vector<1x1x512x512xf32> to vector<512x512xf32>
      %swap3A_301 = vector.shape_cast %min3A : vector<512x512xf32> to vector<1x1x512x512xf32>
      tpu.vector_store %arg4[%swap3A, %swap3A_296, %swap3A_297, %swap3A_298], %swap3A_301 {strides = array<i32>} : memref<1x1x512x4096xf32, #tpu.memory_space<vmem>>, vector<1x1x512x512xf32>,
    } else {
    }
    %slice3A_145 = vector.extract_strided_slice %get3A_4 {offsets = [2048], sizes = [512], strides = [1]} : vector<4096xi32> to vector<512xi32>
    %broadcast_in_dim3A_146 = vector.shape_cast %slice3A_145 : vector<512xi32> to vector<1x512xi32>
    %eq3A_147 = arith.constant 0 : i32
    %eq3A_148 = vector.broadcast %eq3A_147 : i32 to vector<1x512xi32>
    %eq3A_149 = arith.cmpi eq, %broadcast_in_dim3A_146, %eq3A_148 : vector<1x512xi32>
    %jit3A_150 = arith.constant -3.40282347E+38 : f32
    %jit3A_151 = arith.constant 0.000000e+00 : f32
    %broadcast_in_dim3A_152 = vector.broadcast %jit3A_150 : f32 to vector<1x512xf32>
    %broadcast_in_dim3A_153 = vector.broadcast %jit3A_151 : f32 to vector<1x512xf32>
    %select_n3A_154 = arith.select %eq3A_149, %broadcast_in_dim3A_152, %broadcast_in_dim3A_153 : vector<1x512xi1>, vector<1x512xf32>
    %ge3A_155 = arith.constant 2559 : i32
    %ge3A_156 = arith.cmpi sge, %mul3A_0, %ge3A_155 : i32
    %convert_element_type3A_157 = arith.extui %ge3A_156 : i1 to i32
    %cond3A_158 = arith.constant 0 : i32
    %cond3A_159 = arith.cmpi ne, %convert_element_type3A_157, %cond3A_158 : i32
    scf.if %cond3A_159 {
      %broadcast_in_dim3A_294 = vector.shape_cast %select_n3A_154 : vector<1x512xf32> to vector<1x512xf32>
      %broadcast_in_dim3A_295 = vector.broadcast %broadcast_in_dim3A_294 : vector<1x512xf32> to vector<512x512xf32>
      %swap3A = arith.constant 0 : index
      %swap3A_296 = arith.constant 0 : index
      %swap3A_297 = arith.constant 0 : index
      %swap3A_298 = arith.constant 2048 : index
      %swap3A_299 = vector.load %arg4[%swap3A, %swap3A_296, %swap3A_297, %swap3A_298] : memref<1x1x512x4096xf32, #tpu.memory_space<vmem>>, vector<1x1x512x512xf32>
      %swap3A_300 = vector.shape_cast %swap3A_299 : vector<1x1x512x512xf32> to vector<512x512xf32>
      %swap3A_301 = vector.shape_cast %broadcast_in_dim3A_295 : vector<512x512xf32> to vector<1x1x512x512xf32>
      tpu.vector_store %arg4[%swap3A, %swap3A_296, %swap3A_297, %swap3A_298], %swap3A_301 {strides = array<i32>} : memref<1x1x512x4096xf32, #tpu.memory_space<vmem>>, vector<1x1x512x512xf32>,
    } else {
    }
    %add3A_160 = arith.constant 512 : i32
    %add3A_161 = arith.addi %mul3A_0, %add3A_160 : i32
    %sub3A_162 = arith.constant 1 : i32
    %sub3A_163 = arith.subi %add3A_161, %sub3A_162 : i32
    %lt3A_164 = arith.constant 2048 : i32
    %lt3A_165 = arith.cmpi slt, %sub3A_163, %lt3A_164 : i32
    %convert_element_type3A_166 = arith.extui %lt3A_165 : i1 to i32
    %cond3A_167 = arith.constant 0 : i32
    %cond3A_168 = arith.cmpi ne, %convert_element_type3A_166, %cond3A_167 : i32
    scf.if %cond3A_168 {
      %swap3A = arith.constant 0 : index
      %swap3A_294 = arith.constant 0 : index
      %swap3A_295 = arith.constant 0 : index
      %swap3A_296 = arith.constant 2048 : index
      %swap3A_297 = vector.load %arg4[%swap3A, %swap3A_294, %swap3A_295, %swap3A_296] : memref<1x1x512x4096xf32, #tpu.memory_space<vmem>>, vector<1x1x512x512xf32>
      %swap3A_298 = vector.shape_cast %swap3A_297 : vector<1x1x512x512xf32> to vector<512x512xf32>
      %swap3A_299 = vector.shape_cast %broadcast_in_dim3A_9 : vector<512x512xf32> to vector<1x1x512x512xf32>
      tpu.vector_store %arg4[%swap3A, %swap3A_294, %swap3A_295, %swap3A_296], %swap3A_299 {strides = array<i32>} : memref<1x1x512x4096xf32, #tpu.memory_space<vmem>>, vector<1x1x512x512xf32>,
    } else {
    }
    %lt3A_169 = arith.constant 2559 : i32
    %lt3A_170 = arith.cmpi slt, %mul3A_0, %lt3A_169 : i32
    %add3A_171 = arith.constant 512 : i32
    %add3A_172 = arith.addi %mul3A_0, %add3A_171 : i32
    %sub3A_173 = arith.constant 1 : i32
    %sub3A_174 = arith.subi %add3A_172, %sub3A_173 : i32
    %ge3A_175 = arith.constant 2048 : i32
    %ge3A_176 = arith.cmpi sge, %sub3A_174, %ge3A_175 : i32
    %and3A_177 = arith.andi %lt3A_170, %ge3A_176 : i1
    %convert_element_type3A_178 = arith.extui %and3A_177 : i1 to i32
    %cond3A_179 = arith.constant 0 : i32
    %cond3A_180 = arith.cmpi ne, %convert_element_type3A_178, %cond3A_179 : i32
    scf.if %cond3A_180 {
      %broadcast_in_dim3A_294 = vector.shape_cast %select_n3A_154 : vector<1x512xf32> to vector<1x512xf32>
      %broadcast_in_dim3A_295 = vector.broadcast %broadcast_in_dim3A_294 : vector<1x512xf32> to vector<512x512xf32>
      %min3A = arith.minimumf %select_n3A, %broadcast_in_dim3A_295 : vector<512x512xf32>
      %swap3A = arith.constant 0 : index
      %swap3A_296 = arith.constant 0 : index
      %swap3A_297 = arith.constant 0 : index
      %swap3A_298 = arith.constant 2048 : index
      %swap3A_299 = vector.load %arg4[%swap3A, %swap3A_296, %swap3A_297, %swap3A_298] : memref<1x1x512x4096xf32, #tpu.memory_space<vmem>>, vector<1x1x512x512xf32>
      %swap3A_300 = vector.shape_cast %swap3A_299 : vector<1x1x512x512xf32> to vector<512x512xf32>
      %swap3A_301 = vector.shape_cast %min3A : vector<512x512xf32> to vector<1x1x512x512xf32>
      tpu.vector_store %arg4[%swap3A, %swap3A_296, %swap3A_297, %swap3A_298], %swap3A_301 {strides = array<i32>} : memref<1x1x512x4096xf32, #tpu.memory_space<vmem>>, vector<1x1x512x512xf32>,
    } else {
    }
    %slice3A_181 = vector.extract_strided_slice %get3A_4 {offsets = [2560], sizes = [512], strides = [1]} : vector<4096xi32> to vector<512xi32>
    %broadcast_in_dim3A_182 = vector.shape_cast %slice3A_181 : vector<512xi32> to vector<1x512xi32>
    %eq3A_183 = arith.constant 0 : i32
    %eq3A_184 = vector.broadcast %eq3A_183 : i32 to vector<1x512xi32>
    %eq3A_185 = arith.cmpi eq, %broadcast_in_dim3A_182, %eq3A_184 : vector<1x512xi32>
    %jit3A_186 = arith.constant -3.40282347E+38 : f32
    %jit3A_187 = arith.constant 0.000000e+00 : f32
    %broadcast_in_dim3A_188 = vector.broadcast %jit3A_186 : f32 to vector<1x512xf32>
    %broadcast_in_dim3A_189 = vector.broadcast %jit3A_187 : f32 to vector<1x512xf32>
    %select_n3A_190 = arith.select %eq3A_185, %broadcast_in_dim3A_188, %broadcast_in_dim3A_189 : vector<1x512xi1>, vector<1x512xf32>
    %ge3A_191 = arith.constant 3071 : i32
    %ge3A_192 = arith.cmpi sge, %mul3A_0, %ge3A_191 : i32
    %convert_element_type3A_193 = arith.extui %ge3A_192 : i1 to i32
    %cond3A_194 = arith.constant 0 : i32
    %cond3A_195 = arith.cmpi ne, %convert_element_type3A_193, %cond3A_194 : i32
    scf.if %cond3A_195 {
      %broadcast_in_dim3A_294 = vector.shape_cast %select_n3A_190 : vector<1x512xf32> to vector<1x512xf32>
      %broadcast_in_dim3A_295 = vector.broadcast %broadcast_in_dim3A_294 : vector<1x512xf32> to vector<512x512xf32>
      %swap3A = arith.constant 0 : index
      %swap3A_296 = arith.constant 0 : index
      %swap3A_297 = arith.constant 0 : index
      %swap3A_298 = arith.constant 2560 : index
      %swap3A_299 = vector.load %arg4[%swap3A, %swap3A_296, %swap3A_297, %swap3A_298] : memref<1x1x512x4096xf32, #tpu.memory_space<vmem>>, vector<1x1x512x512xf32>
      %swap3A_300 = vector.shape_cast %swap3A_299 : vector<1x1x512x512xf32> to vector<512x512xf32>
      %swap3A_301 = vector.shape_cast %broadcast_in_dim3A_295 : vector<512x512xf32> to vector<1x1x512x512xf32>
      tpu.vector_store %arg4[%swap3A, %swap3A_296, %swap3A_297, %swap3A_298], %swap3A_301 {strides = array<i32>} : memref<1x1x512x4096xf32, #tpu.memory_space<vmem>>, vector<1x1x512x512xf32>,
    } else {
    }
    %add3A_196 = arith.constant 512 : i32
    %add3A_197 = arith.addi %mul3A_0, %add3A_196 : i32
    %sub3A_198 = arith.constant 1 : i32
    %sub3A_199 = arith.subi %add3A_197, %sub3A_198 : i32
    %lt3A_200 = arith.constant 2560 : i32
    %lt3A_201 = arith.cmpi slt, %sub3A_199, %lt3A_200 : i32
    %convert_element_type3A_202 = arith.extui %lt3A_201 : i1 to i32
    %cond3A_203 = arith.constant 0 : i32
    %cond3A_204 = arith.cmpi ne, %convert_element_type3A_202, %cond3A_203 : i32
    scf.if %cond3A_204 {
      %swap3A = arith.constant 0 : index
      %swap3A_294 = arith.constant 0 : index
      %swap3A_295 = arith.constant 0 : index
      %swap3A_296 = arith.constant 2560 : index
      %swap3A_297 = vector.load %arg4[%swap3A, %swap3A_294, %swap3A_295, %swap3A_296] : memref<1x1x512x4096xf32, #tpu.memory_space<vmem>>, vector<1x1x512x512xf32>
      %swap3A_298 = vector.shape_cast %swap3A_297 : vector<1x1x512x512xf32> to vector<512x512xf32>
      %swap3A_299 = vector.shape_cast %broadcast_in_dim3A_9 : vector<512x512xf32> to vector<1x1x512x512xf32>
      tpu.vector_store %arg4[%swap3A, %swap3A_294, %swap3A_295, %swap3A_296], %swap3A_299 {strides = array<i32>} : memref<1x1x512x4096xf32, #tpu.memory_space<vmem>>, vector<1x1x512x512xf32>,
    } else {
    }
    %lt3A_205 = arith.constant 3071 : i32
    %lt3A_206 = arith.cmpi slt, %mul3A_0, %lt3A_205 : i32
    %add3A_207 = arith.constant 512 : i32
    %add3A_208 = arith.addi %mul3A_0, %add3A_207 : i32
    %sub3A_209 = arith.constant 1 : i32
    %sub3A_210 = arith.subi %add3A_208, %sub3A_209 : i32
    %ge3A_211 = arith.constant 2560 : i32
    %ge3A_212 = arith.cmpi sge, %sub3A_210, %ge3A_211 : i32
    %and3A_213 = arith.andi %lt3A_206, %ge3A_212 : i1
    %convert_element_type3A_214 = arith.extui %and3A_213 : i1 to i32
    %cond3A_215 = arith.constant 0 : i32
    %cond3A_216 = arith.cmpi ne, %convert_element_type3A_214, %cond3A_215 : i32
    scf.if %cond3A_216 {
      %broadcast_in_dim3A_294 = vector.shape_cast %select_n3A_190 : vector<1x512xf32> to vector<1x512xf32>
      %broadcast_in_dim3A_295 = vector.broadcast %broadcast_in_dim3A_294 : vector<1x512xf32> to vector<512x512xf32>
      %min3A = arith.minimumf %select_n3A, %broadcast_in_dim3A_295 : vector<512x512xf32>
      %swap3A = arith.constant 0 : index
      %swap3A_296 = arith.constant 0 : index
      %swap3A_297 = arith.constant 0 : index
      %swap3A_298 = arith.constant 2560 : index
      %swap3A_299 = vector.load %arg4[%swap3A, %swap3A_296, %swap3A_297, %swap3A_298] : memref<1x1x512x4096xf32, #tpu.memory_space<vmem>>, vector<1x1x512x512xf32>
      %swap3A_300 = vector.shape_cast %swap3A_299 : vector<1x1x512x512xf32> to vector<512x512xf32>
      %swap3A_301 = vector.shape_cast %min3A : vector<512x512xf32> to vector<1x1x512x512xf32>
      tpu.vector_store %arg4[%swap3A, %swap3A_296, %swap3A_297, %swap3A_298], %swap3A_301 {strides = array<i32>} : memref<1x1x512x4096xf32, #tpu.memory_space<vmem>>, vector<1x1x512x512xf32>,
    } else {
    }
    %slice3A_217 = vector.extract_strided_slice %get3A_4 {offsets = [3072], sizes = [512], strides = [1]} : vector<4096xi32> to vector<512xi32>
    %broadcast_in_dim3A_218 = vector.shape_cast %slice3A_217 : vector<512xi32> to vector<1x512xi32>
    %eq3A_219 = arith.constant 0 : i32
    %eq3A_220 = vector.broadcast %eq3A_219 : i32 to vector<1x512xi32>
    %eq3A_221 = arith.cmpi eq, %broadcast_in_dim3A_218, %eq3A_220 : vector<1x512xi32>
    %jit3A_222 = arith.constant -3.40282347E+38 : f32
    %jit3A_223 = arith.constant 0.000000e+00 : f32
    %broadcast_in_dim3A_224 = vector.broadcast %jit3A_222 : f32 to vector<1x512xf32>
    %broadcast_in_dim3A_225 = vector.broadcast %jit3A_223 : f32 to vector<1x512xf32>
    %select_n3A_226 = arith.select %eq3A_221, %broadcast_in_dim3A_224, %broadcast_in_dim3A_225 : vector<1x512xi1>, vector<1x512xf32>
    %ge3A_227 = arith.constant 3583 : i32
    %ge3A_228 = arith.cmpi sge, %mul3A_0, %ge3A_227 : i32
    %convert_element_type3A_229 = arith.extui %ge3A_228 : i1 to i32
    %cond3A_230 = arith.constant 0 : i32
    %cond3A_231 = arith.cmpi ne, %convert_element_type3A_229, %cond3A_230 : i32
    scf.if %cond3A_231 {
      %broadcast_in_dim3A_294 = vector.shape_cast %select_n3A_226 : vector<1x512xf32> to vector<1x512xf32>
      %broadcast_in_dim3A_295 = vector.broadcast %broadcast_in_dim3A_294 : vector<1x512xf32> to vector<512x512xf32>
      %swap3A = arith.constant 0 : index
      %swap3A_296 = arith.constant 0 : index
      %swap3A_297 = arith.constant 0 : index
      %swap3A_298 = arith.constant 3072 : index
      %swap3A_299 = vector.load %arg4[%swap3A, %swap3A_296, %swap3A_297, %swap3A_298] : memref<1x1x512x4096xf32, #tpu.memory_space<vmem>>, vector<1x1x512x512xf32>
      %swap3A_300 = vector.shape_cast %swap3A_299 : vector<1x1x512x512xf32> to vector<512x512xf32>
      %swap3A_301 = vector.shape_cast %broadcast_in_dim3A_295 : vector<512x512xf32> to vector<1x1x512x512xf32>
      tpu.vector_store %arg4[%swap3A, %swap3A_296, %swap3A_297, %swap3A_298], %swap3A_301 {strides = array<i32>} : memref<1x1x512x4096xf32, #tpu.memory_space<vmem>>, vector<1x1x512x512xf32>,
    } else {
    }
    %add3A_232 = arith.constant 512 : i32
    %add3A_233 = arith.addi %mul3A_0, %add3A_232 : i32
    %sub3A_234 = arith.constant 1 : i32
    %sub3A_235 = arith.subi %add3A_233, %sub3A_234 : i32
    %lt3A_236 = arith.constant 3072 : i32
    %lt3A_237 = arith.cmpi slt, %sub3A_235, %lt3A_236 : i32
    %convert_element_type3A_238 = arith.extui %lt3A_237 : i1 to i32
    %cond3A_239 = arith.constant 0 : i32
    %cond3A_240 = arith.cmpi ne, %convert_element_type3A_238, %cond3A_239 : i32
    scf.if %cond3A_240 {
      %swap3A = arith.constant 0 : index
      %swap3A_294 = arith.constant 0 : index
      %swap3A_295 = arith.constant 0 : index
      %swap3A_296 = arith.constant 3072 : index
      %swap3A_297 = vector.load %arg4[%swap3A, %swap3A_294, %swap3A_295, %swap3A_296] : memref<1x1x512x4096xf32, #tpu.memory_space<vmem>>, vector<1x1x512x512xf32>
      %swap3A_298 = vector.shape_cast %swap3A_297 : vector<1x1x512x512xf32> to vector<512x512xf32>
      %swap3A_299 = vector.shape_cast %broadcast_in_dim3A_9 : vector<512x512xf32> to vector<1x1x512x512xf32>
      tpu.vector_store %arg4[%swap3A, %swap3A_294, %swap3A_295, %swap3A_296], %swap3A_299 {strides = array<i32>} : memref<1x1x512x4096xf32, #tpu.memory_space<vmem>>, vector<1x1x512x512xf32>,
    } else {
    }
    %lt3A_241 = arith.constant 3583 : i32
    %lt3A_242 = arith.cmpi slt, %mul3A_0, %lt3A_241 : i32
    %add3A_243 = arith.constant 512 : i32
    %add3A_244 = arith.addi %mul3A_0, %add3A_243 : i32
    %sub3A_245 = arith.constant 1 : i32
    %sub3A_246 = arith.subi %add3A_244, %sub3A_245 : i32
    %ge3A_247 = arith.constant 3072 : i32
    %ge3A_248 = arith.cmpi sge, %sub3A_246, %ge3A_247 : i32
    %and3A_249 = arith.andi %lt3A_242, %ge3A_248 : i1
    %convert_element_type3A_250 = arith.extui %and3A_249 : i1 to i32
    %cond3A_251 = arith.constant 0 : i32
    %cond3A_252 = arith.cmpi ne, %convert_element_type3A_250, %cond3A_251 : i32
    scf.if %cond3A_252 {
      %broadcast_in_dim3A_294 = vector.shape_cast %select_n3A_226 : vector<1x512xf32> to vector<1x512xf32>
      %broadcast_in_dim3A_295 = vector.broadcast %broadcast_in_dim3A_294 : vector<1x512xf32> to vector<512x512xf32>
      %min3A = arith.minimumf %select_n3A, %broadcast_in_dim3A_295 : vector<512x512xf32>
      %swap3A = arith.constant 0 : index
      %swap3A_296 = arith.constant 0 : index
      %swap3A_297 = arith.constant 0 : index
      %swap3A_298 = arith.constant 3072 : index
      %swap3A_299 = vector.load %arg4[%swap3A, %swap3A_296, %swap3A_297, %swap3A_298] : memref<1x1x512x4096xf32, #tpu.memory_space<vmem>>, vector<1x1x512x512xf32>
      %swap3A_300 = vector.shape_cast %swap3A_299 : vector<1x1x512x512xf32> to vector<512x512xf32>
      %swap3A_301 = vector.shape_cast %min3A : vector<512x512xf32> to vector<1x1x512x512xf32>
      tpu.vector_store %arg4[%swap3A, %swap3A_296, %swap3A_297, %swap3A_298], %swap3A_301 {strides = array<i32>} : memref<1x1x512x4096xf32, #tpu.memory_space<vmem>>, vector<1x1x512x512xf32>,
    } else {
    }
    %slice3A_253 = vector.extract_strided_slice %get3A_4 {offsets = [3584], sizes = [512], strides = [1]} : vector<4096xi32> to vector<512xi32>
    %broadcast_in_dim3A_254 = vector.shape_cast %slice3A_253 : vector<512xi32> to vector<1x512xi32>
    %eq3A_255 = arith.constant 0 : i32
    %eq3A_256 = vector.broadcast %eq3A_255 : i32 to vector<1x512xi32>
    %eq3A_257 = arith.cmpi eq, %broadcast_in_dim3A_254, %eq3A_256 : vector<1x512xi32>
    %jit3A_258 = arith.constant -3.40282347E+38 : f32
    %jit3A_259 = arith.constant 0.000000e+00 : f32
    %broadcast_in_dim3A_260 = vector.broadcast %jit3A_258 : f32 to vector<1x512xf32>
    %broadcast_in_dim3A_261 = vector.broadcast %jit3A_259 : f32 to vector<1x512xf32>
    %select_n3A_262 = arith.select %eq3A_257, %broadcast_in_dim3A_260, %broadcast_in_dim3A_261 : vector<1x512xi1>, vector<1x512xf32>
    %ge3A_263 = arith.constant 4095 : i32
    %ge3A_264 = arith.cmpi sge, %mul3A_0, %ge3A_263 : i32
    %convert_element_type3A_265 = arith.extui %ge3A_264 : i1 to i32
    %cond3A_266 = arith.constant 0 : i32
    %cond3A_267 = arith.cmpi ne, %convert_element_type3A_265, %cond3A_266 : i32
    scf.if %cond3A_267 {
      %broadcast_in_dim3A_294 = vector.shape_cast %select_n3A_262 : vector<1x512xf32> to vector<1x512xf32>
      %broadcast_in_dim3A_295 = vector.broadcast %broadcast_in_dim3A_294 : vector<1x512xf32> to vector<512x512xf32>
      %swap3A = arith.constant 0 : index
      %swap3A_296 = arith.constant 0 : index
      %swap3A_297 = arith.constant 0 : index
      %swap3A_298 = arith.constant 3584 : index
      %swap3A_299 = vector.load %arg4[%swap3A, %swap3A_296, %swap3A_297, %swap3A_298] : memref<1x1x512x4096xf32, #tpu.memory_space<vmem>>, vector<1x1x512x512xf32>
      %swap3A_300 = vector.shape_cast %swap3A_299 : vector<1x1x512x512xf32> to vector<512x512xf32>
      %swap3A_301 = vector.shape_cast %broadcast_in_dim3A_295 : vector<512x512xf32> to vector<1x1x512x512xf32>
      tpu.vector_store %arg4[%swap3A, %swap3A_296, %swap3A_297, %swap3A_298], %swap3A_301 {strides = array<i32>} : memref<1x1x512x4096xf32, #tpu.memory_space<vmem>>, vector<1x1x512x512xf32>,
    } else {
    }
    %add3A_268 = arith.constant 512 : i32
    %add3A_269 = arith.addi %mul3A_0, %add3A_268 : i32
    %sub3A_270 = arith.constant 1 : i32
    %sub3A_271 = arith.subi %add3A_269, %sub3A_270 : i32
    %lt3A_272 = arith.constant 3584 : i32
    %lt3A_273 = arith.cmpi slt, %sub3A_271, %lt3A_272 : i32
    %convert_element_type3A_274 = arith.extui %lt3A_273 : i1 to i32
    %cond3A_275 = arith.constant 0 : i32
    %cond3A_276 = arith.cmpi ne, %convert_element_type3A_274, %cond3A_275 : i32
    scf.if %cond3A_276 {
      %swap3A = arith.constant 0 : index
      %swap3A_294 = arith.constant 0 : index
      %swap3A_295 = arith.constant 0 : index
      %swap3A_296 = arith.constant 3584 : index
      %swap3A_297 = vector.load %arg4[%swap3A, %swap3A_294, %swap3A_295, %swap3A_296] : memref<1x1x512x4096xf32, #tpu.memory_space<vmem>>, vector<1x1x512x512xf32>
      %swap3A_298 = vector.shape_cast %swap3A_297 : vector<1x1x512x512xf32> to vector<512x512xf32>
      %swap3A_299 = vector.shape_cast %broadcast_in_dim3A_9 : vector<512x512xf32> to vector<1x1x512x512xf32>
      tpu.vector_store %arg4[%swap3A, %swap3A_294, %swap3A_295, %swap3A_296], %swap3A_299 {strides = array<i32>} : memref<1x1x512x4096xf32, #tpu.memory_space<vmem>>, vector<1x1x512x512xf32>,
    } else {
    }
    %lt3A_277 = arith.constant 4095 : i32
    %lt3A_278 = arith.cmpi slt, %mul3A_0, %lt3A_277 : i32
    %add3A_279 = arith.constant 512 : i32
    %add3A_280 = arith.addi %mul3A_0, %add3A_279 : i32
    %sub3A_281 = arith.constant 1 : i32
    %sub3A_282 = arith.subi %add3A_280, %sub3A_281 : i32
    %ge3A_283 = arith.constant 3584 : i32
    %ge3A_284 = arith.cmpi sge, %sub3A_282, %ge3A_283 : i32
    %and3A_285 = arith.andi %lt3A_278, %ge3A_284 : i1
    %convert_element_type3A_286 = arith.extui %and3A_285 : i1 to i32
    %cond3A_287 = arith.constant 0 : i32
    %cond3A_288 = arith.cmpi ne, %convert_element_type3A_286, %cond3A_287 : i32
    scf.if %cond3A_288 {
      %broadcast_in_dim3A_294 = vector.shape_cast %select_n3A_262 : vector<1x512xf32> to vector<1x512xf32>
      %broadcast_in_dim3A_295 = vector.broadcast %broadcast_in_dim3A_294 : vector<1x512xf32> to vector<512x512xf32>
      %min3A = arith.minimumf %select_n3A, %broadcast_in_dim3A_295 : vector<512x512xf32>
      %swap3A = arith.constant 0 : index
      %swap3A_296 = arith.constant 0 : index
      %swap3A_297 = arith.constant 0 : index
      %swap3A_298 = arith.constant 3584 : index
      %swap3A_299 = vector.load %arg4[%swap3A, %swap3A_296, %swap3A_297, %swap3A_298] : memref<1x1x512x4096xf32, #tpu.memory_space<vmem>>, vector<1x1x512x512xf32>
      %swap3A_300 = vector.shape_cast %swap3A_299 : vector<1x1x512x512xf32> to vector<512x512xf32>
      %swap3A_301 = vector.shape_cast %min3A : vector<512x512xf32> to vector<1x1x512x512xf32>
      tpu.vector_store %arg4[%swap3A, %swap3A_296, %swap3A_297, %swap3A_298], %swap3A_301 {strides = array<i32>} : memref<1x1x512x4096xf32, #tpu.memory_space<vmem>>, vector<1x1x512x512xf32>,
    } else {
    }
    %eq3A_289 = arith.constant 0 : i32
    %eq3A_290 = arith.cmpi eq, %arg1, %eq3A_289 : i32
    %convert_element_type3A_291 = arith.extui %eq3A_290 : i1 to i32
    %cond3A_292 = arith.constant 0 : i32
    %cond3A_293 = arith.cmpi ne, %convert_element_type3A_291, %cond3A_292 : i32
    scf.if %cond3A_293 {
      %iota3A_294 = tpu.iota {dimensions = array<i32: 1>} : vector<512x128xi32>
      %convert_element_type3A_295 = arith.sitofp %iota3A_294 : vector<512x128xi32> to vector<512x128xf32>
      %lt3A_296 = arith.constant 6.400000e+01 : f32
      %lt3A_297 = vector.broadcast %lt3A_296 : f32 to vector<512x128xf32>
      %lt3A_298 = arith.cmpf olt, %convert_element_type3A_295, %lt3A_297 : vector<512x128xf32>
      %sub3A_299 = arith.constant 6.400000e+01 : f32
      %sub3A_300 = vector.broadcast %sub3A_299 : f32 to vector<512x128xf32>
      %sub3A_301 = arith.subf %convert_element_type3A_295, %sub3A_300 : vector<512x128xf32>
      %select_n3A_302 = arith.select %lt3A_298, %convert_element_type3A_295, %sub3A_301 : vector<512x128xi1>, vector<512x128xf32>
      %mul3A_303 = arith.constant -0.14391157 : f32
      %mul3A_304 = vector.broadcast %mul3A_303 : f32 to vector<512x128xf32>
      %mul3A_305 = arith.mulf %select_n3A_302, %mul3A_304 : vector<512x128xf32>
      %exp3A = math.exp %mul3A_305 : vector<512x128xf32>
      %get3A_306 = arith.constant 0 : index
      %get3A_307 = arith.constant 0 : index
      %get3A_308 = vector.load %arg3[%get3A_306, %get3A_307] : memref<1x512xi32, #tpu.memory_space<vmem>>, vector<1x512xi32>
      %get3A_309 = vector.shape_cast %get3A_308 : vector<1x512xi32> to vector<512xi32>
      %convert_element_type3A_310 = arith.sitofp %get3A_309 : vector<512xi32> to vector<512xf32>
      %broadcast_in_dim3A_311 = vector.shape_cast %convert_element_type3A_310 : vector<512xf32> to vector<512x1xf32>
      %mul3A_312 = vector.broadcast %broadcast_in_dim3A_311 : vector<512x1xf32> to vector<512x128xf32>
      %mul3A_313 = arith.mulf %mul3A_312, %exp3A : vector<512x128xf32>
      %cos3A = math.cos %mul3A_313 : vector<512x128xf32>
      %swap3A = arith.constant 0 : index
      %swap3A_314 = arith.constant 0 : index
      %swap3A_315 = arith.constant 0 : index
      %swap3A_316 = vector.load %arg5[%swap3A, %swap3A_314, %swap3A_315] : memref<1x512x128xf32, #tpu.memory_space<vmem>>, vector<1x512x128xf32>
      %swap3A_317 = vector.shape_cast %swap3A_316 : vector<1x512x128xf32> to vector<512x128xf32>
      %swap3A_318 = vector.shape_cast %cos3A : vector<512x128xf32> to vector<1x512x128xf32>
      tpu.vector_store %arg5[%swap3A, %swap3A_314, %swap3A_315], %swap3A_318 {strides = array<i32>} : memref<1x512x128xf32, #tpu.memory_space<vmem>>, vector<1x512x128xf32>,
      %sin3A = math.sin %mul3A_313 : vector<512x128xf32>
      %swap3A_319 = arith.constant 0 : index
      %swap3A_320 = arith.constant 0 : index
      %swap3A_321 = arith.constant 0 : index
      %swap3A_322 = vector.load %arg6[%swap3A_319, %swap3A_320, %swap3A_321] : memref<1x512x128xf32, #tpu.memory_space<vmem>>, vector<1x512x128xf32>
      %swap3A_323 = vector.shape_cast %swap3A_322 : vector<1x512x128xf32> to vector<512x128xf32>
      %swap3A_324 = vector.shape_cast %sin3A : vector<512x128xf32> to vector<1x512x128xf32>
      tpu.vector_store %arg6[%swap3A_319, %swap3A_320, %swap3A_321], %swap3A_324 {strides = array<i32>} : memref<1x512x128xf32, #tpu.memory_space<vmem>>, vector<1x512x128xf32>,
    } else {
    }
    return
  }
  func.func @transform_0(%arg0: i32, %arg1: i32) -> (i32, i32, i32) {
    %c0_i32 = arith.constant 0 : i32
    %c0_i32_0 = arith.constant 0 : i32
    %c0_i32_1 = arith.constant 0 : i32
    return %arg1, %c0_i32, %c0_i32_0 : i32, i32, i32
  }
  func.func @transform_1(%arg0: i32, %arg1: i32) -> (i32, i32) {
    %c0_i32 = arith.constant 0 : i32
    %c0_i32_0 = arith.constant 0 : i32
    return %c0_i32, %arg0 : i32, i32
  }
  func.func @transform_2(%arg0: i32, %arg1: i32) -> (i32, i32, i32, i32) {
    %c0_i32 = arith.constant 0 : i32
    %c0_i32_0 = arith.constant 0 : i32
    %c0_i32_1 = arith.constant 0 : i32
    return %arg1, %c0_i32, %arg0, %c0_i32_0 : i32, i32, i32, i32
  }
  func.func @transform_3(%arg0: i32, %arg1: i32) -> (i32, i32, i32) {
    %c0_i32 = arith.constant 0 : i32
    %c0_i32_0 = arith.constant 0 : i32
    %c0_i32_1 = arith.constant 0 : i32
    return %c0_i32, %arg0, %c0_i32_0 : i32, i32, i32
  }
  func.func @transform_4(%arg0: i32, %arg1: i32) -> (i32, i32, i32) {
    %c0_i32 = arith.constant 0 : i32
    %c0_i32_0 = arith.constant 0 : i32
    %c0_i32_1 = arith.constant 0 : i32
    return %c0_i32, %arg0, %c0_i32_0 : i32, i32, i32
  }
}

</mosaic_0001>

<sc_bundles>
// kernel: kernel.4.cloned.1.call-start
scs
__scs_entry_jumppad:
0x0: {  	(pc) =	sbr.rel $0x88, $3  }
0x1: {  	(tag) =	ssettag $0x0;
	lr =	simm.s32 $0x1  }
0x2: {  	[smem:$0x3F9B] =	sst lr;
	_ =	strace $0xD0000000  }
0x3: {  	_ = 	snop  }
0x4: {  	_ = 	snop  }
0x5: {  	_ = 	snop  }
0x6: {  	_ = 	snop  }
0x7: {  	_ = 	snop  }
__scs_overlays_trampoline_lowered:
0x8: {  	[smem:$0x3FAA] =	sst s0  }
0x9: {  	[smem:$0x3FAB] =	sst s1  }
0xa: {  	[smem:$0x3FAC] =	sst s2  }
0xb: {  	[smem:$0x3FAD] =	sst s3  }
0xc: {  	[smem:$0x3FAE] =	sst s4  }
0xd: {  	[smem:$0x3FAF] =	sst s5  }
0xe: {  	[smem:$0x3FB0] =	sst s6  }
0xf: {  	[smem:$0x3FB1] =	sst s7  }
0x10: {  	[smem:$0x3FB2] =	sst s8  }
0x11: {  	[smem:$0x3FB3] =	sst s9;
	s0 =	simm.s32 @!p0 $0x0  }
0x12: {  	s1 =	sld [smem:$0x3F99];
	s0 =	simm.s32 @p0 $0x1  }
0x13: {  	[smem:$0x3FB4] =	sst s0;
	s0 =	simm.s32 @!p1 $0x0  }
0x14: {  	s2 =	sld [smem:$0x3F98];
	s0 =	simm.s32 @p1 $0x1  }
0x15: {  	[smem:$0x3FB5] =	sst s0;
	s0 =	simm.s32 @!p2 $0x0  }
0x16: {  	s3 =	sld [smem:$0x3FDB];
	s0 =	simm.s32 @p2 $0x1  }
0x17: {  	s4 =	simm.s32 $0x1BF5;
	[smem:$0x3FB7] =	sst s0  }
0x18: {  	s0 =	sld [smem:$0x3F9A];
	_ =	swait.ge [sflag:s4], $0x0  }
0x19: {  	s7 =	sld [smem:$0x3F9B]  }
0x1a: {  	s8 =	sadd.s32 $0xFFFFE003, lr  }
0x1b: {  	s9 =	sadd.s32 $0xFFFFFEF7, lr;
	s5 =	simm.s32 $0xFFFFFFFF;
	p2 =	slt.u32 s8, $0xFFFFF086  }
0x1c: {  	p1 =	slt.u32 s9, $0xF7A;
	s5 =	simm.s32 @!p2 $0x0  }
0x1d: {  	s5 =	simm.s32 @p1 $0x1;
	p0 =	seq.s32 s7, s2  }
0x1e: {  	s7 =	smul.u32 @!p0 $0xF7A, s2;
	p2 =	seq.s32 @!p0 s5, $0x0  }
0x1f: {  	s9 =	smul.u32 $0xF7A, s1;
	s8 =	simm.s32 @!p0 $0x1BF5;
	p2 =	por !p2, p0  }
0x20: {  	[sflag:s8] =	ssyncset.s32 @!p0 $0xFFFFF086;
	s6 =	sadd.s32 @!p0 s3, s7;
	s7 =	simm.s32 @!p0 $0x108  }
0x21: {  	s3 =	sadd.s32 s3, s9;
	s6 =	sadd.s32 @!p0 $0x88, s6;
	s7 =	simm.s32 @p2 $0x1082  }
0x22: {  	[simem:s7], [sflag:s8] =	dma.local @!p0 [hbm:s6], $0xF7A  }
0x23: {  	s9 =	sor.u32 $0xD0000000, s2;
	s6 =	simm.s32 $0x108;
	_ =	swait.ge @!p0 [sflag:s8], $0x0  }
0x24: {  	s3 =	sadd.s32 $0x88, s3;
	s6 =	simm.s32 @!p1 $0x1082;
	[sflag:s4] =	ssyncset.s32 $0xFFFFF086  }
0x25: {  	[simem:s6], [sflag:s4] =	dma.local [hbm:s3], $0xF7A  }
0x26: {  	[smem:$0x3F9B] =	sst s1;
	(tag) =	ssettag s2;
	_ =	strace s9  }
0x27: {  	s1 =	sld [smem:$0x3FAB]  }
0x28: {  	s2 =	sld [smem:$0x3FAC]  }
0x29: {  	s4 =	sld [smem:$0x3FAE]  }
0x2a: {  	p0 =	seq.s32 s5, $0x0;
	s5 =	sld [smem:$0x3FAF]  }
0x2b: {  	s6 =	sld [smem:$0x3FB0]  }
0x2c: {  	s7 =	sld [smem:$0x3FB1]  }
0x2d: {  	s3 =	simm.s32 $0x108;
	s8 =	sld [smem:$0x3FB2]  }
0x2e: {  	s3 =	simm.s32 @!p0 $0x1082;
	s9 =	sld [smem:$0x3FB3]  }
0x2f: {  	lr =	sadd.s32 s0, s3;
	s0 =	sld [smem:$0x3FAA]  }
0x30: {  	s3 =	sld [smem:$0x3FAD]  }
0x31: {  	[smem:$0x3FB6] =	sst s10  }
0x32: {  	s10 =	sld [smem:$0x3FB4];
	_ =	sdelay $0x3  }
0x33: {  	p0 =	seq.s32 s10, $0x1;
	s10 =	sld [smem:$0x3FB6];
	_ =	sdelay $0x3  }
0x34: {  	[smem:$0x3FB6] =	sst s10  }
0x35: {  	s10 =	sld [smem:$0x3FB5];
	_ =	sdelay $0x3  }
0x36: {  	p1 =	seq.s32 s10, $0x1;
	s10 =	sld [smem:$0x3FB6];
	_ =	sdelay $0x3  }
0x37: {  	[smem:$0x3FB6] =	sst s10  }
0x38: {  	s10 =	sld [smem:$0x3FB7]  }
0x39: {  	_ = 	snop;
	(pc) =	sbr.ind lr, $3  }
0x3a: {  	_ = 	snop  }
0x3b: {  	_ = 	snop  }
0x3c: {  	p2 =	seq.s32 s10, $0x1;
	s10 =	sld [smem:$0x3FB6]  }
0x3d: {  	_ =	shalt  }
0x3e: {  	_ =	shalt  }
0x3f: {  	_ =	shalt  }
0x40: {  	_ =	shalt  }
0x41: {  	_ =	shalt  }
0x42: {  	_ =	shalt  }
0x43: {  	_ =	shalt  }
0x44: {  	_ =	shalt  }
0x45: {  	_ =	shalt  }
0x46: {  	_ =	shalt  }
0x47: {  	_ =	shalt  }
0x48: {  	_ =	shalt  }
0x49: {  	_ =	shalt  }
0x4a: {  	_ =	shalt  }
0x4b: {  	_ =	shalt  }
0x4c: {  	_ =	shalt  }
0x4d: {  	_ =	shalt  }
0x4e: {  	_ =	shalt  }
0x4f: {  	_ =	shalt  }
0x50: {  	_ =	shalt  }
0x51: {  	_ =	shalt  }
0x52: {  	_ =	shalt  }
0x53: {  	_ =	shalt  }
0x54: {  	_ =	shalt  }
0x55: {  	_ =	shalt  }
0x56: {  	_ =	shalt  }
0x57: {  	_ =	shalt  }
0x58: {  	_ =	shalt  }
0x59: {  	_ =	shalt  }
0x5a: {  	_ =	shalt  }
0x5b: {  	_ =	shalt  }
0x5c: {  	_ =	shalt  }
0x5d: {  	_ =	shalt  }
0x5e: {  	_ =	shalt  }
0x5f: {  	_ =	shalt  }
0x60: {  	_ =	shalt  }
0x61: {  	_ =	shalt  }
0x62: {  	_ =	shalt  }
0x63: {  	_ =	shalt  }
0x64: {  	_ =	shalt  }
0x65: {  	_ =	shalt  }
0x66: {  	_ =	shalt  }
0x67: {  	_ =	shalt  }
0x68: {  	_ =	shalt  }
0x69: {  	_ =	shalt  }
0x6a: {  	_ =	shalt  }
0x6b: {  	_ =	shalt  }
0x6c: {  	_ =	shalt  }
0x6d: {  	_ =	shalt  }
0x6e: {  	_ =	shalt  }
0x6f: {  	_ =	shalt  }
0x70: {  	_ =	shalt  }
0x71: {  	_ =	shalt  }
0x72: {  	_ =	shalt  }
0x73: {  	_ =	shalt  }
0x74: {  	_ =	shalt  }
0x75: {  	_ =	shalt  }
0x76: {  	_ =	shalt  }
0x77: {  	_ =	shalt  }
0x78: {  	_ =	shalt  }
0x79: {  	_ =	shalt  }
0x7a: {  	_ =	shalt  }
0x7b: {  	_ =	shalt  }
0x7c: {  	_ =	shalt  }
0x7d: {  	_ =	shalt  }
0x7e: {  	_ =	shalt  }
0x7f: {  	_ =	shalt  }
0x80: {  	_ =	shalt  }
0x81: {  	_ =	shalt  }
0x82: {  	_ =	shalt  }
0x83: {  	_ =	shalt  }
0x84: {  	_ =	shalt  }
0x85: {  	_ =	shalt  }
0x86: {  	_ =	shalt  }
0x87: {  	_ =	shalt  }
.Lfunc_end0:
.L_simem_size_0:
called_computation_lowered:
.L_overlay_start_0:
0x88: {  	s2 =	sld [smem:$0x3FD9]  }
0x89: {  	s3 =	sld [smem:$0x3FFE];
	_ =	sdelay $0x1  }
0x8a: {  	s1 =	srdreg.scid  }
0x8b: {  	s0 =	sand.u32 $0x1, s1  }
0x8c: {  	s15 =	sshll.u32 s0, $0xA;
	s2 =	sadd.s32 s3, s2  }
0x8d: {  	s2 =	sadd.s32 s2, s15  }
0x8e: {  	[smem:$0x3FC2] =	sst s2  }
0x8f: {  	_ = 	snop  }
0x90: {  	s2 =	sld [smem:$0x3FD0];
	_ =	sdelay $0x2  }
0x91: {  	s4 =	simm.s32 $0xA;
	s5 =	simm.s32 $0x10;
	s16 =	sld [smem:$0x3FC4]  }
0x92: {  	[smem:s5], [sflag:s4] =	dma.local [hbm:s2], $0x1  }
0x93: {  	_ =	swait.eq [sflag:s4], $0x1  }
0x94: {  	[sflag:s4] =	ssyncset.done $0x0  }
0x95: {  	s17 =	sld [smem:$0x10];
	[sflag:s4] =	ssyncadd.s32 $0xFFFFFFFF  }
0x96: {  	s18 =	sld [smem:$0x16];
	(tm) =	ssettm $0x1  }
0x97: {  	s19 =	sld [smem:$0x3FFB];
	_ =	sdelay $0x3  }
0x98: {  	_ =	strace s19  }
0x99: {  	s5 =	sld [smem:$0x3FFC];
	_ =	sdelay $0x3  }
0x9a: {  	_ =	strace s5  }
0x9b: {  	s5 =	sld [smem:$0x3FFD];
	_ =	sdelay $0x3  }
0x9c: {  	_ =	strace s5  }
0x9d: {  	_ =	strace $0x8FFFFFFF  }
0x9e: {  	s20 =	sld [smem:$0x3FDB];
	_ =	sdelay $0x1  }
0x9f: {  	s6 =	simm.s32 $_scs_section_size  }
0xa0: {  	s7 =	simm.s32 $_size__tile_overlayer_lowered;
	s8 =	simm.s32 $_tile_overlayer_lowered  }
0xa1: {  	s23 =	simm.s32 $0x1BFF;
	s22 =	sshll.u32 s8, $0x1;
	s5 =	sadd.s32 s6, s20  }
0xa2: {  	s9 =	simm.s32 $0x0;
	s21 =	sshll.u32 s7, $0x1;
	s7 =	sadd.s32 s22, s5  }
0xa3: {  	[timem:s9], [sflag:s23] =	dma.local [hbm:s7], s21  }
0xa4: {  	_ =	swait.ge [sflag:s23], s21  }
0xa5: {  	s6 =	ssub.s32 $0x0, s21;
	[sflag:s23] =	ssyncset.done $0x0  }
0xa6: {  	[sflag:s23] =	ssyncadd.s32 s6;
	_ =	sdelay $0x1  }
0xa7: {  	s24 =	simm.s32 $0x1B8B  }
0xa8: {  	_ =	swait.ge [sflag:s24], $0x1  }
0xa9: {  	[sflag:s24] =	ssyncset.done $0x0  }
0xaa: {  	s25 =	simm.s32 $0x1B8E;
	[sflag:s24] =	ssyncadd.s32 $0xFFFFFFFF  }
0xab: {  	s26 =	simm.s32 $execute0_lowered;
	[smem:$0x3FD2] =	sst s25  }
0xac: {  	s6 =	sshll.u32 s26, $0x1;
	_ =	strace $0x80000046;
	[dreg:$0x1] =	wrdreg $0xFFFFFFFF  }
0xad: {  	s28 =	simm.s32 $_size_execute0_lowered;
	s5 =	sadd.s32 s5, s6;
	[dreg:$0x0] =	wrdreg $0x0  }
0xae: {  	s6 =	sshll.u32 s28, $0x1;
	[dreg:$0x2] =	wrdreg s5  }
0xaf: {  	[dreg:$0x3] =	wrdreg s6  }
0xb0: {  	[dreg:$0x4] =	wrdreg $0xC0  }
0xb1: {  	_ =	task [dreg:s9], $0x5FFFF  }
0xb2: {  	[dreg:$0x1] =	wrdreg $0xFFFFFFFF  }
0xb3: {  	[dreg:$0x0] =	wrdreg $0x60  }
0xb4: {  	[dreg:$0x2] =	wrdreg s18  }
0xb5: {  	[dreg:$0x3] =	wrdreg s16  }
0xb6: {  	[dreg:$0x4] =	wrdreg s17  }
0xb7: {  	[dreg:$0x5] =	wrdreg $0x9  }
0xb8: {  	_ =	task.clear_ibuf [dreg:s9], $0x6FFFF;
	_ =	strace $0x90000046  }
0xb9: {  	s29 =	simm.s32 $0x9;
	_ =	strace $0x80000048  }
0xba: {  	_ =	swait.ge [sflag:s29], $0x1  }
0xbb: {  	[sflag:s29] =	ssyncadd.s32 $0xFFFFFFFF  }
0xbc: {  	_ =	strace $0x90000048  }
0xbd: {  	_ =	sfence  }
0xbe: {  	s30 =	sld [smem:$0x0];
	_ =	sdelay $0x2  }
0xbf: {  	s31 =	sshll.u32 s1, $0xD;
	s1 =	sshrl.u32 s1, $0x2  }
0xc0: {  	s3 =	sand.u32 $0x4000, s31;
	s1 =	sadd.s32 s1, s30  }
0xc1: {  	s0 =	sor.u32 s3, s0;
	s1 =	sshll.u32 s1, $0x11  }
0xc2: {  	s0 =	sor.u32 s1, s0  }
0xc3: {  	s0 =	sadd.s32 $0x8F2B, s0  }
0xc4: {  	[sflag:s0] =	ssyncadd.remote.s32 $0x1  }
0xc5: {  	_ =	sfence.sel $0xFFFF  }
0xc6: {  	[dreg:$0x0] =	wrdreg $0xFFFFFFFF;
	(pc) =	sbr.abs _section_cstart, $3  }
0xc7: {  	[dreg:$0x1] =	wrdreg $0xFFFFFFFF  }
0xc8: {  	_ =	task.clear_ibuf [dreg:s9], $0x2FFFF;
	_ =	strace $0x9FFFFFFF  }
0xc9: {  	(tm) =	ssettm $0x7FFFFFFF  }
tec
execute0_lowered:
.L_overlay_start_1:
0x0: {  	(tag) =	ssettag $0x1  }
0x1: {  	s0 =	rddreg [dreg:$0x0]  }
0x2: {  	s1 =	rddreg [dreg:$0x1]  }
0x3: {  	s2 =	rddreg [dreg:$0x2]  }
0x4: {  	s4 =	srdreg.scid;
	s3 =	simm.s32 $0x0;
	s13 =	stileid.u32  }
0x5: {  	s16 =	simm.s32 $0x3;
	s17 =	simm.s32 $0x200;
	s14 =	simm.s32 $0x2200  }
0x6: {  	s15 =	simm.s32 $0x2A00;
	s18 =	simm.s32 $0x3200;
	s19 =	simm.s32 $0x3A00  }
0x7: {  	s20 =	simm.s32 $0x4200;
	s28 =	simm.s32 $0x7A00;
	s30 =	simm.s32 $0x1  }
0x8: {  	s31 =	simm.s32 $0x2;
	s29 =	simm.s32 $0x0;
	s4 =	sand.u32 $0x1, s4  }
0x9: {  	s6 =	sshll.u32 s13, $0xA;
	[smem:$0x7FF] =	sst s3;
	s9 =	sadd.s32 $0x500, s1  }
0xa: {  	s10 =	sadd.s32 $0x600, s1;
	s23 =	sshll.u32 s13, $0x12;
	s13 =	simm.s32 $0x1200  }
0xb: {  	s5 =	ssub.s32 $0x2, s4;
	s7 =	sshll.u32 s4, $0x9;
	_ =	strace $0x80000047  }
0xc: {  	s4 =	sshll.u32 s4, $0x11;
	s8 =	sshrl.u32 s5, $0x1;
	s11 =	sor.u32 s7, s6  }
0xd: {  	s6 =	sadd.s32 $0x200, s1;
	s7 =	sadd.s32 $0x300, s1;
	s12 =	ssub.s32 s5, s8  }
0xe: {  	s21 =	sshrl.u32 s11, $0x3;
	s5 =	sadd.s32 $0x100, s1;
	s8 =	sadd.s32 $0x400, s1  }
0xf: {  	s22 =	sshll.u32 s11, $0x8;
	s11 =	sadd.s32 $0x700, s1;
	s0 =	sadd.s32 s0, s21  }
0x10: {  	s25 =	smax.u32 s12, $0x1;
	s12 =	simm.s32 $0xA00;
	s21 =	simm.s32 $0x4A00  }
0x11: {  	[dreg:$0x4] =	wrdreg s0;
	s0 =	sadd.s32 s22, s2;
	s2 =	sadd.s32 s23, s2  }
0x12: {  	[dreg:$0x7] =	wrdreg s25;
	s22 =	simm.s32 $0x5200;
	s23 =	simm.s32 $0x5A00  }
0x13: {  	s25 =	simm.s32 $0x6A00;
	s24 =	sadd.s32 $0x1E000, s0;
	s2 =	sadd.s32 s4, s2  }
0x14: {  	v2 =	vlaneseq.u32;
	s0 =	sadd.s32 $0x1F000, s0;
	s4 =	simm.s32 $0x8200;
	[dreg:$0x5] =	wrdreg s24  }
0x15: {  	vm0 =	vmmov $0xffff;
	v1 =	vshrl.u32 v2, $0x3;
	[dreg:$0x6] =	wrdreg s0;
	s26 =	sadd.s32 $0x1000, s2;
	s2 =	simm.s32 $0x1A00  }
0x16: {  	v0 =	vand.u32 $0x7, v2;
	v2 =	vor.u32 $0x8, v2;
	v1 =	vmul.u32 $0x8, v1;
	s24 =	simm.s32 $0x6200;
	[dreg:$0x8] =	wrdreg s26;
	s26 =	simm.s32 $0x7200  }
.LBB2_1:
0x17: {  	[dreg:$0x9] =	wrdreg s29  }
0x18: {  	s0 =	rddreg [dreg:$0x4]  }
0x19: {  	[tilespmem:s3], [sflag:$0x3] =	stream.linear.gather [hbm4b:s0+s3], $0x200, $0x38;
	[tilespmem:$0x10200] =	vst v63  }
0x1a: {  	_ =	swait.ge [sflag:s16], $0x200  }
0x1b: {  	[sflag:s16] =	ssyncset.done $0x0  }
0x1c: {  	[sflag:s16] =	ssyncadd.s32 $0xFFFFFE00  }
0x1d: {  	v3 =	vld [tilespmem:$0x0];
	_ =	sdelay $0x4  }
0x1e: {  	v4 =	vshll.u32 v3, $0x4  }
0x1f: {  	v3 =	vand.u32 $0x7, v3;
	v4 =	vand.u32 $0xFFFFFF80, v4  }
0x20: {  	v3 =	vor.u32 v3, v4  }
0x21: {  	v4 =	vperm.xlane v3, v0;
	_ =	sdelay $0x1  }
0x22: {  	v4 =	vadd.s32 v1, v4;
	_ =	sdelay $0x4  }
0x23: {  	[tilespmem:s17], [sflag:$0x1] =	stream.indirect_vreg.gather [hbm4b:s1+s3], $0x80, v4, vm0, $0xb8;
	[tilespmem:$0x10200] =	vst v63  }
0x24: {  	_ = 	snop  }
0x25: {  	[tilespmem:s12], [sflag:$0x1] =	stream.indirect_vreg.gather [hbm4b:s5+s3], $0x80, v4, vm0, $0xb8;
	[tilespmem:$0x10200] =	vst v63  }
0x26: {  	_ = 	snop  }
0x27: {  	[tilespmem:s13], [sflag:$0x1] =	stream.indirect_vreg.gather [hbm4b:s6+s3], $0x80, v4, vm0, $0xb8;
	[tilespmem:$0x10200] =	vst v63  }
0x28: {  	_ = 	snop  }
0x29: {  	[tilespmem:s2], [sflag:$0x1] =	stream.indirect_vreg.gather [hbm4b:s7+s3], $0x80, v4, vm0, $0xb8;
	[tilespmem:$0x10200] =	vst v63  }
0x2a: {  	_ = 	snop  }
0x2b: {  	[tilespmem:s14], [sflag:$0x1] =	stream.indirect_vreg.gather [hbm4b:s8+s3], $0x80, v4, vm0, $0xb8;
	[tilespmem:$0x10200] =	vst v63  }
0x2c: {  	v3 =	vperm.xlane v3, v2  }
0x2d: {  	[tilespmem:s15], [sflag:$0x1] =	stream.indirect_vreg.gather [hbm4b:s9+s3], $0x80, v4, vm0, $0xb8;
	[tilespmem:$0x10200] =	vst v63  }
0x2e: {  	v3 =	vadd.s32 v1, v3  }
0x2f: {  	[tilespmem:s18], [sflag:$0x1] =	stream.indirect_vreg.gather [hbm4b:s10+s3], $0x80, v4, vm0, $0xb8;
	[tilespmem:$0x10200] =	vst v63  }
0x30: {  	_ = 	snop  }
0x31: {  	[tilespmem:s19], [sflag:$0x1] =	stream.indirect_vreg.gather [hbm4b:s11+s3], $0x80, v4, vm0, $0xb8;
	[tilespmem:$0x10200] =	vst v63  }
0x32: {  	_ = 	snop  }
0x33: {  	[tilespmem:s20], [sflag:$0x1] =	stream.indirect_vreg.gather [hbm4b:s1+s3], $0x80, v3, vm0, $0xb8;
	[tilespmem:$0x10200] =	vst v63  }
0x34: {  	_ = 	snop  }
0x35: {  	[tilespmem:s21], [sflag:$0x1] =	stream.indirect_vreg.gather [hbm4b:s5+s3], $0x80, v3, vm0, $0xb8;
	[tilespmem:$0x10200] =	vst v63  }
0x36: {  	_ = 	snop  }
0x37: {  	[tilespmem:s22], [sflag:$0x1] =	stream.indirect_vreg.gather [hbm4b:s6+s3], $0x80, v3, vm0, $0xb8;
	[tilespmem:$0x10200] =	vst v63  }
0x38: {  	_ = 	snop  }
0x39: {  	[tilespmem:s23], [sflag:$0x1] =	stream.indirect_vreg.gather [hbm4b:s7+s3], $0x80, v3, vm0, $0xb8;
	[tilespmem:$0x10200] =	vst v63  }
0x3a: {  	s29 =	simm.s32 $0x7A00;
	s0 =	rddreg [dreg:$0x8];
	s2 =	simm.s32 $0x0  }
0x3b: {  	[tilespmem:s24], [sflag:$0x1] =	stream.indirect_vreg.gather [hbm4b:s8+s3], $0x80, v3, vm0, $0xb8;
	[tilespmem:$0x10200] =	vst v63  }
0x3c: {  	s14 =	simm.s32 $0x1A00;
	s15 =	simm.s32 $0x2200;
	s18 =	simm.s32 $0x2A00  }
0x3d: {  	[tilespmem:s25], [sflag:$0x1] =	stream.indirect_vreg.gather [hbm4b:s9+s3], $0x80, v3, vm0, $0xb8;
	[tilespmem:$0x10200] =	vst v63  }
0x3e: {  	s19 =	simm.s32 $0x3200;
	s20 =	simm.s32 $0x3A00;
	s21 =	simm.s32 $0x4200  }
0x3f: {  	[tilespmem:s26], [sflag:$0x1] =	stream.indirect_vreg.gather [hbm4b:s10+s3], $0x80, v3, vm0, $0xb8;
	[tilespmem:$0x10200] =	vst v63  }
0x40: {  	s22 =	simm.s32 $0x4A00;
	s23 =	simm.s32 $0x5200;
	s24 =	simm.s32 $0x5A00  }
0x41: {  	[tilespmem:s28], [sflag:$0x1] =	stream.indirect_vreg.gather [hbm4b:s11+s3], $0x80, v3, vm0, $0xb8;
	[tilespmem:$0x10200] =	vst v63  }
0x42: {  	s25 =	simm.s32 $0x6200;
	s26 =	simm.s32 $0x6A00;
	s28 =	simm.s32 $0x7200  }
.LBB2_2:
0x43: {  	s12 =	sshra.s32 s2, $0x2  }
0x44: {  	v3 =	vld [tilespmem:s12+$0x10];
	_ =	sdelay $0x4  }
0x45: {  	v4 =	vshll.u32 v3, $0x4  }
0x46: {  	v3 =	vand.u32 $0x7, v3;
	v4 =	vand.u32 $0xFFFFFF80, v4  }
0x47: {  	v3 =	vor.u32 v3, v4  }
0x48: {  	v4 =	vperm.xlane v3, v0;
	_ =	sdelay $0x1  }
0x49: {  	v4 =	vadd.s32 v1, v4;
	_ =	sdelay $0x4  }
0x4a: {  	[tilespmem:s4], [sflag:$0x2] =	stream.indirect_vreg.gather [hbm4b:s1+s3], $0x80, v4, vm0, $0xb8;
	[tilespmem:$0x10200] =	vst v63  }
0x4b: {  	s17 =	simm.s32 $0x8A00  }
0x4c: {  	[tilespmem:s17], [sflag:$0x2] =	stream.indirect_vreg.gather [hbm4b:s5+s3], $0x80, v4, vm0, $0xb8;
	[tilespmem:$0x10200] =	vst v63  }
0x4d: {  	s13 =	simm.s32 $0x9200  }
0x4e: {  	[tilespmem:s13], [sflag:$0x2] =	stream.indirect_vreg.gather [hbm4b:s6+s3], $0x80, v4, vm0, $0xb8;
	[tilespmem:$0x10200] =	vst v63  }
0x4f: {  	s17 =	simm.s32 $0x9A00  }
0x50: {  	[tilespmem:s17], [sflag:$0x2] =	stream.indirect_vreg.gather [hbm4b:s7+s3], $0x80, v4, vm0, $0xb8;
	[tilespmem:$0x10200] =	vst v63  }
0x51: {  	s13 =	simm.s32 $0xA200  }
0x52: {  	[tilespmem:s13], [sflag:$0x2] =	stream.indirect_vreg.gather [hbm4b:s8+s3], $0x80, v4, vm0, $0xb8;
	[tilespmem:$0x10200] =	vst v63  }
0x53: {  	v3 =	vperm.xlane v3, v2;
	s17 =	simm.s32 $0xAA00  }
0x54: {  	[tilespmem:s17], [sflag:$0x2] =	stream.indirect_vreg.gather [hbm4b:s9+s3], $0x80, v4, vm0, $0xb8;
	[tilespmem:$0x10200] =	vst v63  }
0x55: {  	v3 =	vadd.s32 v1, v3;
	s13 =	simm.s32 $0xB200  }
0x56: {  	[tilespmem:s13], [sflag:$0x2] =	stream.indirect_vreg.gather [hbm4b:s10+s3], $0x80, v4, vm0, $0xb8;
	[tilespmem:$0x10200] =	vst v63  }
0x57: {  	s17 =	simm.s32 $0xBA00  }
0x58: {  	[tilespmem:s17], [sflag:$0x2] =	stream.indirect_vreg.gather [hbm4b:s11+s3], $0x80, v4, vm0, $0xb8;
	[tilespmem:$0x10200] =	vst v63  }
0x59: {  	s13 =	simm.s32 $0xC200  }
0x5a: {  	[tilespmem:s13], [sflag:$0x2] =	stream.indirect_vreg.gather [hbm4b:s1+s3], $0x80, v3, vm0, $0xb8;
	[tilespmem:$0x10200] =	vst v63  }
0x5b: {  	s17 =	simm.s32 $0xCA00  }
0x5c: {  	[tilespmem:s17], [sflag:$0x2] =	stream.indirect_vreg.gather [hbm4b:s5+s3], $0x80, v3, vm0, $0xb8;
	[tilespmem:$0x10200] =	vst v63  }
0x5d: {  	s13 =	simm.s32 $0xD200  }
0x5e: {  	[tilespmem:s13], [sflag:$0x2] =	stream.indirect_vreg.gather [hbm4b:s6+s3], $0x80, v3, vm0, $0xb8;
	[tilespmem:$0x10200] =	vst v63  }
0x5f: {  	s17 =	simm.s32 $0xDA00  }
0x60: {  	[tilespmem:s17], [sflag:$0x2] =	stream.indirect_vreg.gather [hbm4b:s7+s3], $0x80, v3, vm0, $0xb8;
	[tilespmem:$0x10200] =	vst v63  }
0x61: {  	s13 =	simm.s32 $0xE200  }
0x62: {  	[tilespmem:s13], [sflag:$0x2] =	stream.indirect_vreg.gather [hbm4b:s8+s3], $0x80, v3, vm0, $0xb8;
	[tilespmem:$0x10200] =	vst v63  }
0x63: {  	s17 =	simm.s32 $0xEA00  }
0x64: {  	[tilespmem:s17], [sflag:$0x2] =	stream.indirect_vreg.gather [hbm4b:s9+s3], $0x80, v3, vm0, $0xb8;
	[tilespmem:$0x10200] =	vst v63  }
0x65: {  	s13 =	simm.s32 $0xF200  }
0x66: {  	[tilespmem:s13], [sflag:$0x2] =	stream.indirect_vreg.gather [hbm4b:s10+s3], $0x80, v3, vm0, $0xb8;
	[tilespmem:$0x10200] =	vst v63  }
0x67: {  	s17 =	simm.s32 $0xFA00  }
0x68: {  	[tilespmem:s17], [sflag:$0x2] =	stream.indirect_vreg.gather [hbm4b:s11+s3], $0x80, v3, vm0, $0xb8;
	[tilespmem:$0x10200] =	vst v63  }
0x69: {  	_ =	swait.ge [sflag:s30], $0x8000  }
0x6a: {  	[sflag:s30] =	ssyncset.done $0x0  }
0x6b: {  	s4 =	simm.s32 $0x200;
	s13 =	sadd.s32 $0xFFFFF000, s0;
	[sflag:s30] =	ssyncadd.s32 $0xFFFF8000  }
0x6c: {  	[hbm4b:s13+s3] =	stream.linear.scatter [tilespmem:s4], [sflag:$0x3], $0x8000, $0x38;
	[tilespmem:$0x10200] =	vst v63  }
0x6d: {  	_ =	swait.ge [sflag:s16], $0x8000  }
0x6e: {  	[sflag:s16] =	ssyncset.done $0x0  }
0x6f: {  	[sflag:s16] =	ssyncadd.s32 $0xFFFF8000  }
0x70: {  	v3 =	vld [tilespmem:s12+$0x20];
	_ =	sdelay $0x4  }
0x71: {  	v63 =	vshll.u32 v3, $0x4  }
0x72: {  	v3 =	vand.u32 $0x7, v3;
	v4 =	vand.u32 $0xFFFFFF80, v63  }
0x73: {  	v3 =	vor.u32 v3, v4  }
0x74: {  	v4 =	vperm.xlane v3, v0;
	_ =	sdelay $0x1  }
0x75: {  	v4 =	vadd.s32 v1, v4;
	_ =	sdelay $0x4  }
0x76: {  	[tilespmem:s4], [sflag:$0x1] =	stream.indirect_vreg.gather [hbm4b:s1+s3], $0x80, v4, vm0, $0xb8;
	[tilespmem:$0x10200] =	vst v63  }
0x77: {  	s12 =	simm.s32 $0xA00  }
0x78: {  	[tilespmem:s12], [sflag:$0x1] =	stream.indirect_vreg.gather [hbm4b:s5+s3], $0x80, v4, vm0, $0xb8;
	[tilespmem:$0x10200] =	vst v63  }
0x79: {  	s13 =	simm.s32 $0x1200  }
0x7a: {  	[tilespmem:s13], [sflag:$0x1] =	stream.indirect_vreg.gather [hbm4b:s6+s3], $0x80, v4, vm0, $0xb8;
	[tilespmem:$0x10200] =	vst v63  }
0x7b: {  	_ = 	snop  }
0x7c: {  	[tilespmem:s14], [sflag:$0x1] =	stream.indirect_vreg.gather [hbm4b:s7+s3], $0x80, v4, vm0, $0xb8;
	[tilespmem:$0x10200] =	vst v63  }
0x7d: {  	_ = 	snop  }
0x7e: {  	[tilespmem:s15], [sflag:$0x1] =	stream.indirect_vreg.gather [hbm4b:s8+s3], $0x80, v4, vm0, $0xb8;
	[tilespmem:$0x10200] =	vst v63  }
0x7f: {  	v3 =	vperm.xlane v3, v2  }
0x80: {  	[tilespmem:s18], [sflag:$0x1] =	stream.indirect_vreg.gather [hbm4b:s9+s3], $0x80, v4, vm0, $0xb8;
	[tilespmem:$0x10200] =	vst v63  }
0x81: {  	v3 =	vadd.s32 v1, v3  }
0x82: {  	[tilespmem:s19], [sflag:$0x1] =	stream.indirect_vreg.gather [hbm4b:s10+s3], $0x80, v4, vm0, $0xb8;
	[tilespmem:$0x10200] =	vst v63  }
0x83: {  	_ = 	snop  }
0x84: {  	[tilespmem:s20], [sflag:$0x1] =	stream.indirect_vreg.gather [hbm4b:s11+s3], $0x80, v4, vm0, $0xb8;
	[tilespmem:$0x10200] =	vst v63  }
0x85: {  	_ = 	snop  }
0x86: {  	[tilespmem:s21], [sflag:$0x1] =	stream.indirect_vreg.gather [hbm4b:s1+s3], $0x80, v3, vm0, $0xb8;
	[tilespmem:$0x10200] =	vst v63  }
0x87: {  	_ = 	snop  }
0x88: {  	[tilespmem:s22], [sflag:$0x1] =	stream.indirect_vreg.gather [hbm4b:s5+s3], $0x80, v3, vm0, $0xb8;
	[tilespmem:$0x10200] =	vst v63  }
0x89: {  	_ = 	snop  }
0x8a: {  	[tilespmem:s23], [sflag:$0x1] =	stream.indirect_vreg.gather [hbm4b:s6+s3], $0x80, v3, vm0, $0xb8;
	[tilespmem:$0x10200] =	vst v63  }
0x8b: {  	_ = 	snop  }
0x8c: {  	[tilespmem:s24], [sflag:$0x1] =	stream.indirect_vreg.gather [hbm4b:s7+s3], $0x80, v3, vm0, $0xb8;
	[tilespmem:$0x10200] =	vst v63  }
0x8d: {  	_ = 	snop  }
0x8e: {  	[tilespmem:s25], [sflag:$0x1] =	stream.indirect_vreg.gather [hbm4b:s8+s3], $0x80, v3, vm0, $0xb8;
	[tilespmem:$0x10200] =	vst v63  }
0x8f: {  	_ = 	snop  }
0x90: {  	[tilespmem:s26], [sflag:$0x1] =	stream.indirect_vreg.gather [hbm4b:s9+s3], $0x80, v3, vm0, $0xb8;
	[tilespmem:$0x10200] =	vst v63  }
0x91: {  	_ = 	snop  }
0x92: {  	[tilespmem:s28], [sflag:$0x1] =	stream.indirect_vreg.gather [hbm4b:s10+s3], $0x80, v3, vm0, $0xb8;
	[tilespmem:$0x10200] =	vst v63  }
0x93: {  	_ = 	snop  }
0x94: {  	[tilespmem:s29], [sflag:$0x1] =	stream.indirect_vreg.gather [hbm4b:s11+s3], $0x80, v3, vm0, $0xb8;
	[tilespmem:$0x10200] =	vst v63  }
0x95: {  	_ =	swait.ge [sflag:s31], $0x8000  }
0x96: {  	p0 =	sne.s32 s2, $0x700;
	[sflag:s31] =	ssyncset.done $0x0  }
.Ltmp0:
0x97: {  	s4 =	simm.s32 $0x8200;
	[sflag:s31] =	ssyncadd.s32 $0xFFFF8000;
	(pc) =	sbr.rel @p0 .LBB2_2-.Ltmp0, $4  }
0x98: {  	[hbm4b:s0+s3] =	stream.linear.scatter [tilespmem:s4], [sflag:$0x3], $0x8000, $0x38;
	[tilespmem:$0x10200] =	vst v63  }
0x99: {  	_ =	swait.ge [sflag:s16], $0x8000  }
0x9a: {  	s2 =	sadd.s32 $0x80, s2;
	[sflag:s16] =	ssyncset.done $0x0  }
0x9b: {  	s17 =	simm.s32 $0x200;
	s0 =	sadd.s32 $0x2000, s0;
	[sflag:s16] =	ssyncadd.s32 $0xFFFF8000  }
0x9c: {  	v3 =	vld [tilespmem:$0x1F0];
	_ =	sdelay $0x4  }
0x9d: {  	v4 =	vshll.u32 v3, $0x4  }
0x9e: {  	v3 =	vand.u32 $0x7, v3;
	v4 =	vand.u32 $0xFFFFFF80, v4  }
0x9f: {  	v3 =	vor.u32 v3, v4  }
0xa0: {  	v4 =	vperm.xlane v3, v0;
	_ =	sdelay $0x1  }
0xa1: {  	v4 =	vadd.s32 v1, v4;
	_ =	sdelay $0x4  }
0xa2: {  	[tilespmem:s4], [sflag:$0x2] =	stream.indirect_vreg.gather [hbm4b:s1+s3], $0x80, v4, vm0, $0xb8;
	[tilespmem:$0x10200] =	vst v63  }
0xa3: {  	s0 =	simm.s32 $0x8A00  }
0xa4: {  	[tilespmem:s0], [sflag:$0x2] =	stream.indirect_vreg.gather [hbm4b:s5+s3], $0x80, v4, vm0, $0xb8;
	[tilespmem:$0x10200] =	vst v63  }
0xa5: {  	s22 =	simm.s32 $0x9200  }
0xa6: {  	[tilespmem:s22], [sflag:$0x2] =	stream.indirect_vreg.gather [hbm4b:s6+s3], $0x80, v4, vm0, $0xb8;
	[tilespmem:$0x10200] =	vst v63  }
0xa7: {  	s23 =	simm.s32 $0x9A00  }
0xa8: {  	[tilespmem:s23], [sflag:$0x2] =	stream.indirect_vreg.gather [hbm4b:s7+s3], $0x80, v4, vm0, $0xb8;
	[tilespmem:$0x10200] =	vst v63  }
0xa9: {  	s24 =	simm.s32 $0xA200  }
0xaa: {  	[tilespmem:s24], [sflag:$0x2] =	stream.indirect_vreg.gather [hbm4b:s8+s3], $0x80, v4, vm0, $0xb8;
	[tilespmem:$0x10200] =	vst v63  }
0xab: {  	s25 =	simm.s32 $0xAA00;
	v3 =	vperm.xlane v3, v2  }
0xac: {  	[tilespmem:s25], [sflag:$0x2] =	stream.indirect_vreg.gather [hbm4b:s9+s3], $0x80, v4, vm0, $0xb8;
	[tilespmem:$0x10200] =	vst v63  }
0xad: {  	s26 =	simm.s32 $0xB200;
	v3 =	vadd.s32 v1, v3  }
0xae: {  	[tilespmem:s26], [sflag:$0x2] =	stream.indirect_vreg.gather [hbm4b:s10+s3], $0x80, v4, vm0, $0xb8;
	[tilespmem:$0x10200] =	vst v63  }
0xaf: {  	s2 =	simm.s32 $0xBA00  }
0xb0: {  	[tilespmem:s2], [sflag:$0x2] =	stream.indirect_vreg.gather [hbm4b:s11+s3], $0x80, v4, vm0, $0xb8;
	[tilespmem:$0x10200] =	vst v63  }
0xb1: {  	s14 =	simm.s32 $0xC200  }
0xb2: {  	[tilespmem:s14], [sflag:$0x2] =	stream.indirect_vreg.gather [hbm4b:s1+s3], $0x80, v3, vm0, $0xb8;
	[tilespmem:$0x10200] =	vst v63  }
0xb3: {  	s15 =	simm.s32 $0xCA00  }
0xb4: {  	[tilespmem:s15], [sflag:$0x2] =	stream.indirect_vreg.gather [hbm4b:s5+s3], $0x80, v3, vm0, $0xb8;
	[tilespmem:$0x10200] =	vst v63  }
0xb5: {  	s18 =	simm.s32 $0xD200  }
0xb6: {  	[tilespmem:s18], [sflag:$0x2] =	stream.indirect_vreg.gather [hbm4b:s6+s3], $0x80, v3, vm0, $0xb8;
	[tilespmem:$0x10200] =	vst v63  }
0xb7: {  	s19 =	simm.s32 $0xDA00  }
0xb8: {  	[tilespmem:s19], [sflag:$0x2] =	stream.indirect_vreg.gather [hbm4b:s7+s3], $0x80, v3, vm0, $0xb8;
	[tilespmem:$0x10200] =	vst v63  }
0xb9: {  	s20 =	simm.s32 $0xE200  }
0xba: {  	[tilespmem:s20], [sflag:$0x2] =	stream.indirect_vreg.gather [hbm4b:s8+s3], $0x80, v3, vm0, $0xb8;
	[tilespmem:$0x10200] =	vst v63  }
0xbb: {  	s21 =	simm.s32 $0xEA00  }
0xbc: {  	[tilespmem:s21], [sflag:$0x2] =	stream.indirect_vreg.gather [hbm4b:s9+s3], $0x80, v3, vm0, $0xb8;
	[tilespmem:$0x10200] =	vst v63  }
0xbd: {  	s22 =	simm.s32 $0xF200  }
0xbe: {  	[tilespmem:s22], [sflag:$0x2] =	stream.indirect_vreg.gather [hbm4b:s10+s3], $0x80, v3, vm0, $0xb8;
	[tilespmem:$0x10200] =	vst v63  }
0xbf: {  	s23 =	simm.s32 $0xFA00  }
0xc0: {  	[tilespmem:s23], [sflag:$0x2] =	stream.indirect_vreg.gather [hbm4b:s11+s3], $0x80, v3, vm0, $0xb8;
	[tilespmem:$0x10200] =	vst v63  }
0xc1: {  	_ =	swait.ge [sflag:s30], $0x8000  }
0xc2: {  	[sflag:s30] =	ssyncset.done $0x0  }
0xc3: {  	s24 =	rddreg [dreg:$0x5];
	[sflag:s30] =	ssyncadd.s32 $0xFFFF8000  }
0xc4: {  	[hbm4b:s24+s3] =	stream.linear.scatter [tilespmem:s17], [sflag:$0x3], $0x8000, $0x38;
	[tilespmem:$0x10200] =	vst v63  }
0xc5: {  	_ =	swait.ge [sflag:s16], $0x8000  }
0xc6: {  	[sflag:s16] =	ssyncset.done $0x0  }
0xc7: {  	[sflag:s16] =	ssyncadd.s32 $0xFFFF8000  }
0xc8: {  	_ =	swait.ge [sflag:s31], $0x8000  }
0xc9: {  	[sflag:s31] =	ssyncset.done $0x0  }
0xca: {  	s25 =	rddreg [dreg:$0x6];
	[sflag:s31] =	ssyncadd.s32 $0xFFFF8000  }
0xcb: {  	[hbm4b:s25+s3] =	stream.linear.scatter [tilespmem:s4], [sflag:$0x3], $0x8000, $0x38;
	[tilespmem:$0x10200] =	vst v63  }
0xcc: {  	_ =	swait.ge [sflag:s16], $0x8000  }
0xcd: {  	s29 =	rddreg [dreg:$0x9]  }
0xce: {  	s26 =	rddreg [dreg:$0x7];
	s29 =	sadd.s32 $0x1, s29  }
0xcf: {  	s28 =	simm.s32 $0x7A00;
	p0 =	sne.s32 s29, s26  }
.Ltmp1:
0xd0: {  	s2 =	simm.s32 $0x1A00;
	s14 =	simm.s32 $0x2200;
	(pc) =	sbr.rel @p0 .LBB2_1-.Ltmp1, $4  }
0xd1: {  	s15 =	simm.s32 $0x2A00;
	s18 =	simm.s32 $0x3200;
	s19 =	simm.s32 $0x3A00  }
0xd2: {  	s20 =	simm.s32 $0x4200;
	s21 =	simm.s32 $0x4A00;
	s22 =	simm.s32 $0x5200  }
0xd3: {  	s23 =	simm.s32 $0x5A00;
	s24 =	simm.s32 $0x6200;
	[sflag:s16] =	ssyncset.done $0x0  }
0xd4: {  	s25 =	simm.s32 $0x6A00;
	[sflag:s16] =	ssyncadd.s32 $0xFFFF8000;
	s26 =	simm.s32 $0x7200  }
0xd5: {  	_ =	sfence.sel $0x180000  }
0xd6: {  	[bflag:$0x0] =	sbarrier.arrive $0xFFFF  }
0xd7: {  	_ =	strace $0x90000047  }
0xd8: {  	s0 =	stileid.u32;
	[bflag:$0x2] =	sbarrier.arrive $0xFFFF  }
0xd9: {  	p0 =	sne.s32 s0, $0x0;
	s0 =	rddreg [dreg:$0x3]  }
0xda: {  	s0 =	sadd.s32 @!p0 $0x100000, s0  }
0xdb: {  	[sflag:s0] =	ssyncadd.tile.s32 @!p0 $0x1;
	_ =	shalt  }
.Lfunc_end2:
_tile_overlayer_lowered:
.L_overlay_start_2:
0xdc: {  	(tag) =	ssettag $0x2  }
0xdd: {  	s0 =	rddreg [dreg:$0x0];
	s2 =	stileid.u32  }
0xde: {  	s1 =	rddreg [dreg:$0x1];
	p0 =	sne.s32 s2, $0x0  }
0xdf: {  	s3 =	rddreg [dreg:$0x2];
	[bflag:$0x3] =	sbarrier.arrive $0xFFFF;
	s2 =	simm.s32 @!p0 $0x1C03  }
0xe0: {  	[timem:s3], [sflag:s2] =	dma.local @!p0 [hbm:s0], s1  }
0xe1: {  	s0 =	simm.s32 @!p0 $0x3  }
0xe2: {  	_ =	swait.ge @!p0 [sflag:s0], s1  }
0xe3: {  	s1 =	ssub.s32 @!p0 $0x0, s1;
	[sflag:s0] =	ssyncset.done @!p0 $0x0  }
0xe4: {  	[sflag:s0] =	ssyncadd.s32 @!p0 s1  }
0xe5: {  	[bflag:$0x3] =	sbarrier.arrive $0xFFFF  }
0xe6: {  	_ =	shalt  }

</sc_bundles>
